<compile_context>
chip_gen: v7x
topology: tpu7x:2x2x1
jax: 0.10.2.dev20260603
libtpu: 0.0.44.dev20260713+nightly
codegen_flags: <defaults>
</compile_context>

<pallas_src>
import functools

import jax
import jax.numpy as jnp
from jax import lax
from jax.experimental import pallas as pl
from jax.experimental.pallas import tpu as pltpu
from jax.experimental.pallas import tpu_sc as plsc

N = 10000
E = 320000
D = 128

NC = 2
NS = 16
NW = NC * NS
EPW = E // NW
CHUNK = 80
NCHUNK = EPW // CHUNK
ROWS_MAIN = 624
ROWS_TAIL = N - NS * ROWS_MAIN


def _sc_segment_sum(h, src, dst3, zeros):
  mesh = plsc.VectorSubcoreMesh(core_axis_name="c", subcore_axis_name="s")

  @functools.partial(
      pl.kernel,
      out_type=jax.ShapeDtypeStruct((NC, N, D), jnp.float32),
      mesh=mesh,
      scratch_types=[
          pltpu.VMEM((EPW,), jnp.int32),
          pltpu.VMEM((NCHUNK, CHUNK), jnp.int32),
          pltpu.VMEM((CHUNK, D), jnp.float32),
          pltpu.VMEM((CHUNK, D), jnp.float32),
          pltpu.VMEM_SHARED((N, D), jnp.float32),
          pltpu.SemaphoreType.DMA,
          pltpu.SemaphoreType.DMA,
      ],
  )
  def k(h_hbm, src_hbm, dst_hbm, zero_hbm, out_hbm,
        sidx, didx, rows0, rows1, agg, sem0, sem1):
    cid = lax.axis_index("c")
    sid = lax.axis_index("s")
    wid = cid * NS + sid

    r0 = sid * ROWS_MAIN
    pltpu.sync_copy(zero_hbm.at[pl.ds(r0, ROWS_MAIN)],
                    agg.at[pl.ds(r0, ROWS_MAIN)])

    @pl.when(sid == 0)
    def _():
      pltpu.sync_copy(zero_hbm.at[pl.ds(NS * ROWS_MAIN, ROWS_TAIL)],
                      agg.at[pl.ds(NS * ROWS_MAIN, ROWS_TAIL)])

    pltpu.sync_copy(src_hbm.at[pl.ds(wid * EPW, EPW)], sidx)
    pltpu.sync_copy(dst_hbm.at[wid], didx)
    plsc.subcore_barrier()

    def sidx_of(c):
      return sidx.at[pl.ds(c * CHUNK, CHUNK)]

    pltpu.async_copy(h_hbm.at[sidx_of(0)], rows0, sem0)

    def body(i, carry):
      a = 2 * i
      pltpu.async_copy(h_hbm.at[sidx_of(a + 1)], rows1, sem1)
      pltpu.make_async_copy(h_hbm.at[sidx_of(a)], rows0, sem0).wait()
      pltpu.sync_copy(rows0, agg.at[didx.at[a]], add=True)
      pltpu.async_copy(h_hbm.at[sidx_of(a + 2)], rows0, sem0)
      pltpu.make_async_copy(h_hbm.at[sidx_of(a + 1)], rows1, sem1).wait()
      pltpu.sync_copy(rows1, agg.at[didx.at[a + 1]], add=True)
      return carry

    lax.fori_loop(0, (NCHUNK - 1) // 2, body, 0)
    pltpu.make_async_copy(h_hbm.at[sidx_of(NCHUNK - 1)], rows0, sem0).wait()
    pltpu.sync_copy(rows0, agg.at[didx.at[NCHUNK - 1]], add=True)

    plsc.subcore_barrier()

    pltpu.sync_copy(agg.at[pl.ds(r0, ROWS_MAIN)],
                    out_hbm.at[cid, pl.ds(r0, ROWS_MAIN)])

    @pl.when(sid == 0)
    def _():
      pltpu.sync_copy(agg.at[pl.ds(NS * ROWS_MAIN, ROWS_TAIL)],
                      out_hbm.at[cid, pl.ds(NS * ROWS_MAIN, ROWS_TAIL)])

  return k(h, src, dst3, zeros)


def _tc_mlp(h, parts, Wa, ba, Wb, bb, relu_out):
  BLK = 2000
  Co = Wb.shape[1]

  def body(h_ref, p0_ref, p1_ref, wa_ref, ba_ref, wb_ref, bb_ref, o_ref):
    z = h_ref[...] + p0_ref[0] + p1_ref[0]
    t = lax.dot_general(z, wa_ref[...], (((1,), (0,)), ((), ())),
                        preferred_element_type=jnp.float32)
    t = jnp.maximum(t + ba_ref[...], 0.0)
    o = lax.dot_general(t, wb_ref[...], (((1,), (0,)), ((), ())),
                        preferred_element_type=jnp.float32)
    o = o + bb_ref[...]
    if relu_out:
      o = jnp.maximum(o, 0.0)
    o_ref[...] = o

  return pl.pallas_call(
      body,
      grid=(N // BLK,),
      in_specs=[
          pl.BlockSpec((BLK, D), lambda i: (i, 0)),
          pl.BlockSpec((1, BLK, D), lambda i: (0, i, 0)),
          pl.BlockSpec((1, BLK, D), lambda i: (1, i, 0)),
          pl.BlockSpec((D, Wa.shape[1]), lambda i: (0, 0)),
          pl.BlockSpec((1, Wa.shape[1]), lambda i: (0, 0)),
          pl.BlockSpec((Wa.shape[1], Co), lambda i: (0, 0)),
          pl.BlockSpec((1, Co), lambda i: (0, 0)),
      ],
      out_specs=pl.BlockSpec((BLK, Co), lambda i: (i, 0)),
      out_shape=jax.ShapeDtypeStruct((N, Co), jnp.float32),
  )(h, parts, parts, Wa, ba.reshape(1, -1), Wb, bb.reshape(1, -1))


def kernel(x, edge_index, W1, b1, W2, b2, W3, b3, W4, b4):
  src = edge_index[0]
  dst3 = edge_index[1].reshape(NW, NCHUNK, CHUNK)
  zeros = jnp.zeros((N, D), jnp.float32)
  p1 = _sc_segment_sum(x, src, dst3, zeros)
  h1 = _tc_mlp(x, p1, W1, b1, W2, b2, relu_out=True)
  p2 = _sc_segment_sum(h1, src, dst3, zeros)
  out = _tc_mlp(h1, p2, W3, b3, W4, b4, relu_out=False)
  return out

# --- scband reference (transcript-rebuilt; emitter-appended) ---
"""Pipeline reference for scband-gin-52913997087426 (READ-ONLY COPY).

The authoritative reference and input builder live on the scoring server;
editing this copy changes nothing except your own understanding.
"""

import jax, jax.numpy as jnp
import numpy as np

N = 10000
E = 320000
D = 128
H = 128
C = 64


def setup_inputs(seed: int = 0) -> dict:
    key = jax.random.key(seed)
    ks = jax.random.split(key, 12)
    x = jax.random.normal(ks[0], (N, D), dtype=jnp.float32)
    edge_index = jax.random.randint(ks[1], (2, E), 0, N, dtype=jnp.int32)
    s = 0.05
    W1 = jax.random.normal(ks[2], (D, H), dtype=jnp.float32) * s
    b1 = jnp.zeros((H,), dtype=jnp.float32)
    W2 = jax.random.normal(ks[3], (H, H), dtype=jnp.float32) * s
    b2 = jnp.zeros((H,), dtype=jnp.float32)
    W3 = jax.random.normal(ks[4], (H, H), dtype=jnp.float32) * s
    b3 = jnp.zeros((H,), dtype=jnp.float32)
    W4 = jax.random.normal(ks[5], (H, C), dtype=jnp.float32) * s
    b4 = jnp.zeros((C,), dtype=jnp.float32)
    return {"x": x, "edge_index": edge_index, "W1": W1, "b1": b1, "W2": W2, "b2": b2, "W3": W3, "b3": b3, "W4": W4, "b4": b4}


def _gin_conv(h, src, dst, W_a, b_a, W_b, b_b):
    # GINConv with eps=0: mlp((1+eps)*h + sum_{j->i} h_j)
    msg = jnp.take(h, src, axis=0)
    agg = jax.ops.segment_sum(msg, dst, num_segments=N)
    z = h + agg
    z = jnp.maximum(z @ W_a + b_a, 0.0)
    z = z @ W_b + b_b
    return z


def reference(x, edge_index, W1, b1, W2, b2, W3, b3, W4, b4):
    src = edge_index[0]
    dst = edge_index[1]
    h = _gin_conv(x, src, dst, W1, b1, W2, b2)
    h = jnp.maximum(h, 0.0)
    out = _gin_conv(h, src, dst, W3, b3, W4, b4)
    return out

if __name__ == "__main__":
    import jax
    _d = setup_inputs()
    print(jax.jit(kernel)(*tuple(_d.values())))

</pallas_src>

<mosaic_0001>
#map = affine_map<(d0, d1) -> (0, 0)>
#map1 = affine_map<(d0, d1) -> (0)>
#map2 = affine_map<(d0, d1) -> (0, 0, 0)>
module attributes {stable_mosaic.version = 14 : i64} {
  func.func @k(%arg0: i32, %arg1: i32, %arg2: memref<10000x128xf32, #tpu.memory_space<hbm>>, %arg3: memref<320000xi32, #tpu.memory_space<hbm>>, %arg4: memref<32x125x80xi32, #tpu.memory_space<hbm>>, %arg5: memref<10000x128xf32, #tpu.memory_space<hbm>>, %arg6: memref<2x10000x128xf32, #tpu.memory_space<hbm>>, %arg7: memref<10000xi32, #tpu.memory_space<vmem>>, %arg8: memref<125x80xi32, #tpu.memory_space<vmem>>, %arg9: memref<80x128xf32, #tpu.memory_space<vmem>>, %arg10: memref<80x128xf32, #tpu.memory_space<vmem>>, %arg11: memref<10000x128xf32, #tpu.memory_space<vmem_shared>>, %arg12: memref<!tpu.dma_semaphore, #tpu.memory_space<semaphore_mem>>, %arg13: memref<!tpu.dma_semaphore, #tpu.memory_space<semaphore_mem>>) attributes {dimension_semantics = [#tpu.dimension_semantics<core_parallel>, #tpu.dimension_semantics<subcore_parallel>], iteration_bounds = array<i64: 2, 16>, scalar_prefetch = 0 : i64, scratch_operands = 7 : i64, tpu.core_type = #tpu.core_type<sc_vector_subcore>, window_params = [{transform_indices = #map}, {transform_indices = #map1}, {transform_indices = #map2}, {transform_indices = #map}, {transform_indices = #map2}]} {
    %mul3A = arith.constant 16 : i32
    %mul3A_0 = arith.muli %arg0, %mul3A : i32
    %add3A = arith.addi %mul3A_0, %arg1 : i32
    %mul3A_1 = arith.constant 624 : i32
    %mul3A_2 = arith.muli %arg1, %mul3A_1 : i32
    "tpu.region"() ({
      %run_scoped3A_26 = tpu.sem_alloc : memref<!tpu.dma_semaphore, #tpu.memory_space<semaphore_mem>>
      %dma_start3A_27 = arith.constant 0 : i32
      %dma_start3A_28 = tpu.memref_slice %arg11[%mul3A_2, %dma_start3A_27] : memref<10000x128xf32, #tpu.memory_space<vmem_shared>> -> memref<624x128xf32, #tpu.memory_space<vmem_shared>>
      %dma_start3A_29 = arith.constant 0 : i32
      %dma_start3A_30 = tpu.memref_slice %arg5[%mul3A_2, %dma_start3A_29] : memref<10000x128xf32, #tpu.memory_space<hbm>> -> memref<624x128xf32, #tpu.memory_space<hbm>>
      tpu.enqueue_dma source(%dma_start3A_30 : memref<624x128xf32, #tpu.memory_space<hbm>>) target(%dma_start3A_28 : memref<624x128xf32, #tpu.memory_space<vmem_shared>>) target_semaphore(%run_scoped3A_26 : memref<!tpu.dma_semaphore, #tpu.memory_space<semaphore_mem>>)
      %dma_wait3A_31 = arith.constant 0 : i32
      %dma_wait3A_32 = tpu.memref_slice %arg11[%mul3A_2, %dma_wait3A_31] : memref<10000x128xf32, #tpu.memory_space<vmem_shared>> -> memref<624x128xf32, #tpu.memory_space<vmem_shared>>
      %dma_wait3A_33 = arith.constant 0 : i32
      %dma_wait3A_34 = tpu.memref_slice %arg5[%mul3A_2, %dma_wait3A_33] : memref<10000x128xf32, #tpu.memory_space<hbm>> -> memref<624x128xf32, #tpu.memory_space<hbm>>
      tpu.wait_dma2 semaphore(%run_scoped3A_26 : memref<!tpu.dma_semaphore, #tpu.memory_space<semaphore_mem>>) src(%dma_wait3A_34 : memref<624x128xf32, #tpu.memory_space<hbm>>) dst(%dma_wait3A_32 : memref<624x128xf32, #tpu.memory_space<vmem_shared>>)
      tpu.yield
    }) : () -> ()
    %eq3A = arith.constant 0 : i32
    %eq3A_3 = arith.cmpi eq, %arg1, %eq3A : i32
    %convert_element_type3A = arith.extui %eq3A_3 : i1 to i32
    %cond3A = arith.constant 0 : i32
    %cond3A_4 = arith.cmpi ne, %convert_element_type3A, %cond3A : i32
    scf.if %cond3A_4 {
      "tpu.region"() ({
        %run_scoped3A_26 = tpu.sem_alloc : memref<!tpu.dma_semaphore, #tpu.memory_space<semaphore_mem>>
        %dma_start3A_27 = arith.constant 9984 : i32
        %dma_start3A_28 = arith.constant 0 : i32
        %dma_start3A_29 = tpu.memref_slice %arg11[%dma_start3A_27, %dma_start3A_28] : memref<10000x128xf32, #tpu.memory_space<vmem_shared>> -> memref<16x128xf32, #tpu.memory_space<vmem_shared>>
        %dma_start3A_30 = arith.constant 9984 : i32
        %dma_start3A_31 = arith.constant 0 : i32
        %dma_start3A_32 = tpu.memref_slice %arg5[%dma_start3A_30, %dma_start3A_31] : memref<10000x128xf32, #tpu.memory_space<hbm>> -> memref<16x128xf32, #tpu.memory_space<hbm>>
        tpu.enqueue_dma source(%dma_start3A_32 : memref<16x128xf32, #tpu.memory_space<hbm>>) target(%dma_start3A_29 : memref<16x128xf32, #tpu.memory_space<vmem_shared>>) target_semaphore(%run_scoped3A_26 : memref<!tpu.dma_semaphore, #tpu.memory_space<semaphore_mem>>)
        %dma_wait3A_33 = arith.constant 9984 : i32
        %dma_wait3A_34 = arith.constant 0 : i32
        %dma_wait3A_35 = tpu.memref_slice %arg11[%dma_wait3A_33, %dma_wait3A_34] : memref<10000x128xf32, #tpu.memory_space<vmem_shared>> -> memref<16x128xf32, #tpu.memory_space<vmem_shared>>
        %dma_wait3A_36 = arith.constant 9984 : i32
        %dma_wait3A_37 = arith.constant 0 : i32
        %dma_wait3A_38 = tpu.memref_slice %arg5[%dma_wait3A_36, %dma_wait3A_37] : memref<10000x128xf32, #tpu.memory_space<hbm>> -> memref<16x128xf32, #tpu.memory_space<hbm>>
        tpu.wait_dma2 semaphore(%run_scoped3A_26 : memref<!tpu.dma_semaphore, #tpu.memory_space<semaphore_mem>>) src(%dma_wait3A_38 : memref<16x128xf32, #tpu.memory_space<hbm>>) dst(%dma_wait3A_35 : memref<16x128xf32, #tpu.memory_space<vmem_shared>>)
        tpu.yield
      }) : () -> ()
    } else {
    }
    %mul3A_5 = arith.constant 10000 : i32
    %mul3A_6 = arith.muli %add3A, %mul3A_5 : i32
    "tpu.region"() ({
      %run_scoped3A_26 = tpu.sem_alloc : memref<!tpu.dma_semaphore, #tpu.memory_space<semaphore_mem>>
      %dma_start3A_27 = tpu.memref_slice %arg3[%mul3A_6] : memref<320000xi32, #tpu.memory_space<hbm>> -> memref<10000xi32, #tpu.memory_space<hbm>>
      %dma_start3A_28 = tpu.memref_slice %arg3[%mul3A_6] : memref<320000xi32, #tpu.memory_space<hbm>> -> memref<10000xi32, #tpu.memory_space<hbm>>
      tpu.enqueue_dma source(%dma_start3A_28 : memref<10000xi32, #tpu.memory_space<hbm>>) target(%arg7 : memref<10000xi32, #tpu.memory_space<vmem>>) target_semaphore(%run_scoped3A_26 : memref<!tpu.dma_semaphore, #tpu.memory_space<semaphore_mem>>)
      %dma_wait3A_29 = tpu.memref_slice %arg3[%mul3A_6] : memref<320000xi32, #tpu.memory_space<hbm>> -> memref<10000xi32, #tpu.memory_space<hbm>>
      %dma_wait3A_30 = tpu.memref_slice %arg3[%mul3A_6] : memref<320000xi32, #tpu.memory_space<hbm>> -> memref<10000xi32, #tpu.memory_space<hbm>>
      tpu.wait_dma2 semaphore(%run_scoped3A_26 : memref<!tpu.dma_semaphore, #tpu.memory_space<semaphore_mem>>) src(%dma_wait3A_30 : memref<10000xi32, #tpu.memory_space<hbm>>) dst(%arg7 : memref<10000xi32, #tpu.memory_space<vmem>>)
      tpu.yield
    }) : () -> ()
    "tpu.region"() ({
      %run_scoped3A_26 = tpu.sem_alloc : memref<!tpu.dma_semaphore, #tpu.memory_space<semaphore_mem>>
      %dma_start3A_27 = arith.constant 0 : i32
      %dma_start3A_28 = arith.constant 0 : i32
      %dma_start3A_29 = tpu.memref_slice %arg4[%add3A, %dma_start3A_27, %dma_start3A_28] : memref<32x125x80xi32, #tpu.memory_space<hbm>> -> memref<1x125x80xi32, #tpu.memory_space<hbm>>
      %dma_start3A_30 = tpu.memref_squeeze %dma_start3A_29 : memref<1x125x80xi32, #tpu.memory_space<hbm>> -> memref<125x80xi32, #tpu.memory_space<hbm>>
      %dma_start3A_31 = arith.constant 0 : i32
      %dma_start3A_32 = arith.constant 0 : i32
      %dma_start3A_33 = tpu.memref_slice %arg4[%add3A, %dma_start3A_31, %dma_start3A_32] : memref<32x125x80xi32, #tpu.memory_space<hbm>> -> memref<1x125x80xi32, #tpu.memory_space<hbm>>
      %dma_start3A_34 = tpu.memref_squeeze %dma_start3A_33 : memref<1x125x80xi32, #tpu.memory_space<hbm>> -> memref<125x80xi32, #tpu.memory_space<hbm>>
      tpu.enqueue_dma source(%dma_start3A_34 : memref<125x80xi32, #tpu.memory_space<hbm>>) target(%arg8 : memref<125x80xi32, #tpu.memory_space<vmem>>) target_semaphore(%run_scoped3A_26 : memref<!tpu.dma_semaphore, #tpu.memory_space<semaphore_mem>>)
      %dma_wait3A_35 = arith.constant 0 : i32
      %dma_wait3A_36 = arith.constant 0 : i32
      %dma_wait3A_37 = tpu.memref_slice %arg4[%add3A, %dma_wait3A_35, %dma_wait3A_36] : memref<32x125x80xi32, #tpu.memory_space<hbm>> -> memref<1x125x80xi32, #tpu.memory_space<hbm>>
      %dma_wait3A_38 = tpu.memref_squeeze %dma_wait3A_37 : memref<1x125x80xi32, #tpu.memory_space<hbm>> -> memref<125x80xi32, #tpu.memory_space<hbm>>
      %dma_wait3A_39 = arith.constant 0 : i32
      %dma_wait3A_40 = arith.constant 0 : i32
      %dma_wait3A_41 = tpu.memref_slice %arg4[%add3A, %dma_wait3A_39, %dma_wait3A_40] : memref<32x125x80xi32, #tpu.memory_space<hbm>> -> memref<1x125x80xi32, #tpu.memory_space<hbm>>
      %dma_wait3A_42 = tpu.memref_squeeze %dma_wait3A_41 : memref<1x125x80xi32, #tpu.memory_space<hbm>> -> memref<125x80xi32, #tpu.memory_space<hbm>>
      tpu.wait_dma2 semaphore(%run_scoped3A_26 : memref<!tpu.dma_semaphore, #tpu.memory_space<semaphore_mem>>) src(%dma_wait3A_42 : memref<125x80xi32, #tpu.memory_space<hbm>>) dst(%arg8 : memref<125x80xi32, #tpu.memory_space<vmem>>)
      tpu.yield
    }) : () -> ()
    %barrier3A = arith.constant 0 : index
    tpu.barrier barrier_id(%barrier3A)
    %dma_start3A = arith.constant 0 : i32
    %dma_start3A_7 = tpu.memref_slice %arg7[%dma_start3A] : memref<10000xi32, #tpu.memory_space<vmem>> -> memref<80xi32, #tpu.memory_space<vmem>>
    %dma_start3A_8 = arith.constant 0 : i32
    %dma_start3A_9 = arith.constant 0 : i32
    %dma_start3A_10 = tpu.memref_slice %arg2[%dma_start3A_8, %dma_start3A_9] : memref<10000x128xf32, #tpu.memory_space<hbm>> -> memref<10000x128xf32, #tpu.memory_space<hbm>>
    tpu.enqueue_indirect_dma source(%dma_start3A_10 : memref<10000x128xf32, #tpu.memory_space<hbm>>) target(%arg9 : memref<80x128xf32, #tpu.memory_space<vmem>>) offsets(%dma_start3A_7 : memref<80xi32, #tpu.memory_space<vmem>>) semaphore(%arg12 : memref<!tpu.dma_semaphore, #tpu.memory_space<semaphore_mem>>)
    %scan3A = arith.constant 0 : i32
    %scan3A_11 = arith.constant 0 : i32
    %scan3A_12 = arith.constant 62 : i32
    %scan3A_13 = arith.addi %scan3A_11, %scan3A_12 : i32
    %scan3A_14 = arith.constant 1 : i32
    scf.for %scan3A_26 = %scan3A_11 to %scan3A_13 step %scan3A_14  : i32 {
      %mul3A_27 = arith.constant 2 : i32
      %mul3A_28 = arith.muli %mul3A_27, %scan3A_26 : i32
      %add3A_29 = arith.constant 1 : i32
      %add3A_30 = arith.addi %mul3A_28, %add3A_29 : i32
      %mul3A_31 = arith.constant 80 : i32
      %mul3A_32 = arith.muli %add3A_30, %mul3A_31 : i32
      %dma_start3A_33 = tpu.memref_slice %arg7[%mul3A_32] : memref<10000xi32, #tpu.memory_space<vmem>> -> memref<80xi32, #tpu.memory_space<vmem>>
      %dma_start3A_34 = arith.constant 0 : i32
      %dma_start3A_35 = arith.constant 0 : i32
      %dma_start3A_36 = tpu.memref_slice %arg2[%dma_start3A_34, %dma_start3A_35] : memref<10000x128xf32, #tpu.memory_space<hbm>> -> memref<10000x128xf32, #tpu.memory_space<hbm>>
      tpu.enqueue_indirect_dma source(%dma_start3A_36 : memref<10000x128xf32, #tpu.memory_space<hbm>>) target(%arg10 : memref<80x128xf32, #tpu.memory_space<vmem>>) offsets(%dma_start3A_33 : memref<80xi32, #tpu.memory_space<vmem>>) semaphore(%arg13 : memref<!tpu.dma_semaphore, #tpu.memory_space<semaphore_mem>>)
      %mul3A_37 = arith.constant 80 : i32
      %mul3A_38 = arith.muli %mul3A_28, %mul3A_37 : i32
      %dma_wait3A_39 = tpu.memref_slice %arg7[%mul3A_38] : memref<10000xi32, #tpu.memory_space<vmem>> -> memref<80xi32, #tpu.memory_space<vmem>>
      %dma_wait3A_40 = arith.constant 0 : i32
      %dma_wait3A_41 = arith.constant 0 : i32
      %dma_wait3A_42 = tpu.memref_slice %arg2[%dma_wait3A_40, %dma_wait3A_41] : memref<10000x128xf32, #tpu.memory_space<hbm>> -> memref<10000x128xf32, #tpu.memory_space<hbm>>
      tpu.wait_indirect_dma semaphore(%arg12 : memref<!tpu.dma_semaphore, #tpu.memory_space<semaphore_mem>>) src(%dma_wait3A_42 : memref<10000x128xf32, #tpu.memory_space<hbm>>) dst(%arg9 : memref<80x128xf32, #tpu.memory_space<vmem>>)
      "tpu.region"() ({
        %run_scoped3A_61 = tpu.sem_alloc : memref<!tpu.dma_semaphore, #tpu.memory_space<semaphore_mem>>
        %dma_start3A_62 = arith.constant 0 : i32
        %dma_start3A_63 = tpu.memref_slice %arg8[%mul3A_28, %dma_start3A_62] : memref<125x80xi32, #tpu.memory_space<vmem>> -> memref<1x80xi32, #tpu.memory_space<vmem>>
        %dma_start3A_64 = tpu.memref_squeeze %dma_start3A_63 : memref<1x80xi32, #tpu.memory_space<vmem>> -> memref<80xi32, #tpu.memory_space<vmem>>
        %dma_start3A_65 = arith.constant 0 : i32
        %dma_start3A_66 = arith.constant 0 : i32
        %dma_start3A_67 = tpu.memref_slice %arg11[%dma_start3A_65, %dma_start3A_66] : memref<10000x128xf32, #tpu.memory_space<vmem_shared>> -> memref<10000x128xf32, #tpu.memory_space<vmem_shared>>
        tpu.enqueue_indirect_dma source(%arg9 : memref<80x128xf32, #tpu.memory_space<vmem>>) target(%dma_start3A_67 : memref<10000x128xf32, #tpu.memory_space<vmem_shared>>) offsets(%dma_start3A_64 : memref<80xi32, #tpu.memory_space<vmem>>) semaphore(%run_scoped3A_61 : memref<!tpu.dma_semaphore, #tpu.memory_space<semaphore_mem>>) {add = true}
        %dma_wait3A_68 = arith.constant 0 : i32
        %dma_wait3A_69 = tpu.memref_slice %arg8[%mul3A_28, %dma_wait3A_68] : memref<125x80xi32, #tpu.memory_space<vmem>> -> memref<1x80xi32, #tpu.memory_space<vmem>>
        %dma_wait3A_70 = tpu.memref_squeeze %dma_wait3A_69 : memref<1x80xi32, #tpu.memory_space<vmem>> -> memref<80xi32, #tpu.memory_space<vmem>>
        %dma_wait3A_71 = arith.constant 0 : i32
        %dma_wait3A_72 = arith.constant 0 : i32
        %dma_wait3A_73 = tpu.memref_slice %arg11[%dma_wait3A_71, %dma_wait3A_72] : memref<10000x128xf32, #tpu.memory_space<vmem_shared>> -> memref<10000x128xf32, #tpu.memory_space<vmem_shared>>
        tpu.wait_indirect_dma semaphore(%run_scoped3A_61 : memref<!tpu.dma_semaphore, #tpu.memory_space<semaphore_mem>>) src(%arg9 : memref<80x128xf32, #tpu.memory_space<vmem>>) dst(%dma_wait3A_73 : memref<10000x128xf32, #tpu.memory_space<vmem_shared>>)
        tpu.yield
      }) : () -> ()
      %add3A_43 = arith.constant 2 : i32
      %add3A_44 = arith.addi %mul3A_28, %add3A_43 : i32
      %mul3A_45 = arith.constant 80 : i32
      %mul3A_46 = arith.muli %add3A_44, %mul3A_45 : i32
      %dma_start3A_47 = tpu.memref_slice %arg7[%mul3A_46] : memref<10000xi32, #tpu.memory_space<vmem>> -> memref<80xi32, #tpu.memory_space<vmem>>
      %dma_start3A_48 = arith.constant 0 : i32
      %dma_start3A_49 = arith.constant 0 : i32
      %dma_start3A_50 = tpu.memref_slice %arg2[%dma_start3A_48, %dma_start3A_49] : memref<10000x128xf32, #tpu.memory_space<hbm>> -> memref<10000x128xf32, #tpu.memory_space<hbm>>
      tpu.enqueue_indirect_dma source(%dma_start3A_50 : memref<10000x128xf32, #tpu.memory_space<hbm>>) target(%arg9 : memref<80x128xf32, #tpu.memory_space<vmem>>) offsets(%dma_start3A_47 : memref<80xi32, #tpu.memory_space<vmem>>) semaphore(%arg12 : memref<!tpu.dma_semaphore, #tpu.memory_space<semaphore_mem>>)
      %add3A_51 = arith.constant 1 : i32
      %add3A_52 = arith.addi %mul3A_28, %add3A_51 : i32
      %mul3A_53 = arith.constant 80 : i32
      %mul3A_54 = arith.muli %add3A_52, %mul3A_53 : i32
      %dma_wait3A_55 = tpu.memref_slice %arg7[%mul3A_54] : memref<10000xi32, #tpu.memory_space<vmem>> -> memref<80xi32, #tpu.memory_space<vmem>>
      %dma_wait3A_56 = arith.constant 0 : i32
      %dma_wait3A_57 = arith.constant 0 : i32
      %dma_wait3A_58 = tpu.memref_slice %arg2[%dma_wait3A_56, %dma_wait3A_57] : memref<10000x128xf32, #tpu.memory_space<hbm>> -> memref<10000x128xf32, #tpu.memory_space<hbm>>
      tpu.wait_indirect_dma semaphore(%arg13 : memref<!tpu.dma_semaphore, #tpu.memory_space<semaphore_mem>>) src(%dma_wait3A_58 : memref<10000x128xf32, #tpu.memory_space<hbm>>) dst(%arg10 : memref<80x128xf32, #tpu.memory_space<vmem>>)
      %add3A_59 = arith.constant 1 : i32
      %add3A_60 = arith.addi %mul3A_28, %add3A_59 : i32
      "tpu.region"() ({
        %run_scoped3A_61 = tpu.sem_alloc : memref<!tpu.dma_semaphore, #tpu.memory_space<semaphore_mem>>
        %dma_start3A_62 = arith.constant 0 : i32
        %dma_start3A_63 = tpu.memref_slice %arg8[%add3A_60, %dma_start3A_62] : memref<125x80xi32, #tpu.memory_space<vmem>> -> memref<1x80xi32, #tpu.memory_space<vmem>>
        %dma_start3A_64 = tpu.memref_squeeze %dma_start3A_63 : memref<1x80xi32, #tpu.memory_space<vmem>> -> memref<80xi32, #tpu.memory_space<vmem>>
        %dma_start3A_65 = arith.constant 0 : i32
        %dma_start3A_66 = arith.constant 0 : i32
        %dma_start3A_67 = tpu.memref_slice %arg11[%dma_start3A_65, %dma_start3A_66] : memref<10000x128xf32, #tpu.memory_space<vmem_shared>> -> memref<10000x128xf32, #tpu.memory_space<vmem_shared>>
        tpu.enqueue_indirect_dma source(%arg10 : memref<80x128xf32, #tpu.memory_space<vmem>>) target(%dma_start3A_67 : memref<10000x128xf32, #tpu.memory_space<vmem_shared>>) offsets(%dma_start3A_64 : memref<80xi32, #tpu.memory_space<vmem>>) semaphore(%run_scoped3A_61 : memref<!tpu.dma_semaphore, #tpu.memory_space<semaphore_mem>>) {add = true}
        %dma_wait3A_68 = arith.constant 0 : i32
        %dma_wait3A_69 = tpu.memref_slice %arg8[%add3A_60, %dma_wait3A_68] : memref<125x80xi32, #tpu.memory_space<vmem>> -> memref<1x80xi32, #tpu.memory_space<vmem>>
        %dma_wait3A_70 = tpu.memref_squeeze %dma_wait3A_69 : memref<1x80xi32, #tpu.memory_space<vmem>> -> memref<80xi32, #tpu.memory_space<vmem>>
        %dma_wait3A_71 = arith.constant 0 : i32
        %dma_wait3A_72 = arith.constant 0 : i32
        %dma_wait3A_73 = tpu.memref_slice %arg11[%dma_wait3A_71, %dma_wait3A_72] : memref<10000x128xf32, #tpu.memory_space<vmem_shared>> -> memref<10000x128xf32, #tpu.memory_space<vmem_shared>>
        tpu.wait_indirect_dma semaphore(%run_scoped3A_61 : memref<!tpu.dma_semaphore, #tpu.memory_space<semaphore_mem>>) src(%arg10 : memref<80x128xf32, #tpu.memory_space<vmem>>) dst(%dma_wait3A_73 : memref<10000x128xf32, #tpu.memory_space<vmem_shared>>)
        tpu.yield
      }) : () -> ()
    }
    %scan3A_15 = arith.constant 62 : i32
    %dma_wait3A = arith.constant 9920 : i32
    %dma_wait3A_16 = tpu.memref_slice %arg7[%dma_wait3A] : memref<10000xi32, #tpu.memory_space<vmem>> -> memref<80xi32, #tpu.memory_space<vmem>>
    %dma_wait3A_17 = arith.constant 0 : i32
    %dma_wait3A_18 = arith.constant 0 : i32
    %dma_wait3A_19 = tpu.memref_slice %arg2[%dma_wait3A_17, %dma_wait3A_18] : memref<10000x128xf32, #tpu.memory_space<hbm>> -> memref<10000x128xf32, #tpu.memory_space<hbm>>
    tpu.wait_indirect_dma semaphore(%arg12 : memref<!tpu.dma_semaphore, #tpu.memory_space<semaphore_mem>>) src(%dma_wait3A_19 : memref<10000x128xf32, #tpu.memory_space<hbm>>) dst(%arg9 : memref<80x128xf32, #tpu.memory_space<vmem>>)
    %run_scoped3A = arith.constant 124 : i32
    "tpu.region"() ({
      %run_scoped3A_26 = tpu.sem_alloc : memref<!tpu.dma_semaphore, #tpu.memory_space<semaphore_mem>>
      %dma_start3A_27 = arith.constant 0 : i32
      %dma_start3A_28 = tpu.memref_slice %arg8[%run_scoped3A, %dma_start3A_27] : memref<125x80xi32, #tpu.memory_space<vmem>> -> memref<1x80xi32, #tpu.memory_space<vmem>>
      %dma_start3A_29 = tpu.memref_squeeze %dma_start3A_28 : memref<1x80xi32, #tpu.memory_space<vmem>> -> memref<80xi32, #tpu.memory_space<vmem>>
      %dma_start3A_30 = arith.constant 0 : i32
      %dma_start3A_31 = arith.constant 0 : i32
      %dma_start3A_32 = tpu.memref_slice %arg11[%dma_start3A_30, %dma_start3A_31] : memref<10000x128xf32, #tpu.memory_space<vmem_shared>> -> memref<10000x128xf32, #tpu.memory_space<vmem_shared>>
      tpu.enqueue_indirect_dma source(%arg9 : memref<80x128xf32, #tpu.memory_space<vmem>>) target(%dma_start3A_32 : memref<10000x128xf32, #tpu.memory_space<vmem_shared>>) offsets(%dma_start3A_29 : memref<80xi32, #tpu.memory_space<vmem>>) semaphore(%run_scoped3A_26 : memref<!tpu.dma_semaphore, #tpu.memory_space<semaphore_mem>>) {add = true}
      %dma_wait3A_33 = arith.constant 0 : i32
      %dma_wait3A_34 = tpu.memref_slice %arg8[%run_scoped3A, %dma_wait3A_33] : memref<125x80xi32, #tpu.memory_space<vmem>> -> memref<1x80xi32, #tpu.memory_space<vmem>>
      %dma_wait3A_35 = tpu.memref_squeeze %dma_wait3A_34 : memref<1x80xi32, #tpu.memory_space<vmem>> -> memref<80xi32, #tpu.memory_space<vmem>>
      %dma_wait3A_36 = arith.constant 0 : i32
      %dma_wait3A_37 = arith.constant 0 : i32
      %dma_wait3A_38 = tpu.memref_slice %arg11[%dma_wait3A_36, %dma_wait3A_37] : memref<10000x128xf32, #tpu.memory_space<vmem_shared>> -> memref<10000x128xf32, #tpu.memory_space<vmem_shared>>
      tpu.wait_indirect_dma semaphore(%run_scoped3A_26 : memref<!tpu.dma_semaphore, #tpu.memory_space<semaphore_mem>>) src(%arg9 : memref<80x128xf32, #tpu.memory_space<vmem>>) dst(%dma_wait3A_38 : memref<10000x128xf32, #tpu.memory_space<vmem_shared>>)
      tpu.yield
    }) : () -> ()
    %barrier3A_20 = arith.constant 0 : index
    tpu.barrier barrier_id(%barrier3A_20)
    "tpu.region"() ({
      %run_scoped3A_26 = tpu.sem_alloc : memref<!tpu.dma_semaphore, #tpu.memory_space<semaphore_mem>>
      %dma_start3A_27 = arith.constant 0 : i32
      %dma_start3A_28 = tpu.memref_slice %arg6[%arg0, %mul3A_2, %dma_start3A_27] : memref<2x10000x128xf32, #tpu.memory_space<hbm>> -> memref<1x624x128xf32, #tpu.memory_space<hbm>>
      %dma_start3A_29 = tpu.memref_squeeze %dma_start3A_28 : memref<1x624x128xf32, #tpu.memory_space<hbm>> -> memref<624x128xf32, #tpu.memory_space<hbm>>
      %dma_start3A_30 = arith.constant 0 : i32
      %dma_start3A_31 = tpu.memref_slice %arg11[%mul3A_2, %dma_start3A_30] : memref<10000x128xf32, #tpu.memory_space<vmem_shared>> -> memref<624x128xf32, #tpu.memory_space<vmem_shared>>
      tpu.enqueue_dma source(%dma_start3A_31 : memref<624x128xf32, #tpu.memory_space<vmem_shared>>) target(%dma_start3A_29 : memref<624x128xf32, #tpu.memory_space<hbm>>) target_semaphore(%run_scoped3A_26 : memref<!tpu.dma_semaphore, #tpu.memory_space<semaphore_mem>>)
      %dma_wait3A_32 = arith.constant 0 : i32
      %dma_wait3A_33 = tpu.memref_slice %arg6[%arg0, %mul3A_2, %dma_wait3A_32] : memref<2x10000x128xf32, #tpu.memory_space<hbm>> -> memref<1x624x128xf32, #tpu.memory_space<hbm>>
      %dma_wait3A_34 = tpu.memref_squeeze %dma_wait3A_33 : memref<1x624x128xf32, #tpu.memory_space<hbm>> -> memref<624x128xf32, #tpu.memory_space<hbm>>
      %dma_wait3A_35 = arith.constant 0 : i32
      %dma_wait3A_36 = tpu.memref_slice %arg11[%mul3A_2, %dma_wait3A_35] : memref<10000x128xf32, #tpu.memory_space<vmem_shared>> -> memref<624x128xf32, #tpu.memory_space<vmem_shared>>
      tpu.wait_dma2 semaphore(%run_scoped3A_26 : memref<!tpu.dma_semaphore, #tpu.memory_space<semaphore_mem>>) src(%dma_wait3A_36 : memref<624x128xf32, #tpu.memory_space<vmem_shared>>) dst(%dma_wait3A_34 : memref<624x128xf32, #tpu.memory_space<hbm>>)
      tpu.yield
    }) : () -> ()
    %eq3A_21 = arith.constant 0 : i32
    %eq3A_22 = arith.cmpi eq, %arg1, %eq3A_21 : i32
    %convert_element_type3A_23 = arith.extui %eq3A_22 : i1 to i32
    %cond3A_24 = arith.constant 0 : i32
    %cond3A_25 = arith.cmpi ne, %convert_element_type3A_23, %cond3A_24 : i32
    scf.if %cond3A_25 {
      "tpu.region"() ({
        %run_scoped3A_26 = tpu.sem_alloc : memref<!tpu.dma_semaphore, #tpu.memory_space<semaphore_mem>>
        %dma_start3A_27 = arith.constant 9984 : i32
        %dma_start3A_28 = arith.constant 0 : i32
        %dma_start3A_29 = tpu.memref_slice %arg6[%arg0, %dma_start3A_27, %dma_start3A_28] : memref<2x10000x128xf32, #tpu.memory_space<hbm>> -> memref<1x16x128xf32, #tpu.memory_space<hbm>>
        %dma_start3A_30 = tpu.memref_squeeze %dma_start3A_29 : memref<1x16x128xf32, #tpu.memory_space<hbm>> -> memref<16x128xf32, #tpu.memory_space<hbm>>
        %dma_start3A_31 = arith.constant 9984 : i32
        %dma_start3A_32 = arith.constant 0 : i32
        %dma_start3A_33 = tpu.memref_slice %arg11[%dma_start3A_31, %dma_start3A_32] : memref<10000x128xf32, #tpu.memory_space<vmem_shared>> -> memref<16x128xf32, #tpu.memory_space<vmem_shared>>
        tpu.enqueue_dma source(%dma_start3A_33 : memref<16x128xf32, #tpu.memory_space<vmem_shared>>) target(%dma_start3A_30 : memref<16x128xf32, #tpu.memory_space<hbm>>) target_semaphore(%run_scoped3A_26 : memref<!tpu.dma_semaphore, #tpu.memory_space<semaphore_mem>>)
        %dma_wait3A_34 = arith.constant 9984 : i32
        %dma_wait3A_35 = arith.constant 0 : i32
        %dma_wait3A_36 = tpu.memref_slice %arg6[%arg0, %dma_wait3A_34, %dma_wait3A_35] : memref<2x10000x128xf32, #tpu.memory_space<hbm>> -> memref<1x16x128xf32, #tpu.memory_space<hbm>>
        %dma_wait3A_37 = tpu.memref_squeeze %dma_wait3A_36 : memref<1x16x128xf32, #tpu.memory_space<hbm>> -> memref<16x128xf32, #tpu.memory_space<hbm>>
        %dma_wait3A_38 = arith.constant 9984 : i32
        %dma_wait3A_39 = arith.constant 0 : i32
        %dma_wait3A_40 = tpu.memref_slice %arg11[%dma_wait3A_38, %dma_wait3A_39] : memref<10000x128xf32, #tpu.memory_space<vmem_shared>> -> memref<16x128xf32, #tpu.memory_space<vmem_shared>>
        tpu.wait_dma2 semaphore(%run_scoped3A_26 : memref<!tpu.dma_semaphore, #tpu.memory_space<semaphore_mem>>) src(%dma_wait3A_40 : memref<16x128xf32, #tpu.memory_space<vmem_shared>>) dst(%dma_wait3A_37 : memref<16x128xf32, #tpu.memory_space<hbm>>)
        tpu.yield
      }) : () -> ()
    } else {
    }
    return
  }
}

#map = affine_map<(d0, d1) -> (0, 0)>
#map1 = affine_map<(d0, d1) -> (0)>
#map2 = affine_map<(d0, d1) -> (0, 0, 0)>
module attributes {stable_mosaic.version = 14 : i64} {
  func.func @k(%arg0: i32, %arg1: i32, %arg2: memref<10000x128xf32, #tpu.memory_space<hbm>>, %arg3: memref<320000xi32, #tpu.memory_space<hbm>>, %arg4: memref<32x125x80xi32, #tpu.memory_space<hbm>>, %arg5: memref<10000x128xf32, #tpu.memory_space<hbm>>, %arg6: memref<2x10000x128xf32, #tpu.memory_space<hbm>>, %arg7: memref<10000xi32, #tpu.memory_space<vmem>>, %arg8: memref<125x80xi32, #tpu.memory_space<vmem>>, %arg9: memref<80x128xf32, #tpu.memory_space<vmem>>, %arg10: memref<80x128xf32, #tpu.memory_space<vmem>>, %arg11: memref<10000x128xf32, #tpu.memory_space<vmem_shared>>, %arg12: memref<!tpu.dma_semaphore, #tpu.memory_space<semaphore_mem>>, %arg13: memref<!tpu.dma_semaphore, #tpu.memory_space<semaphore_mem>>) attributes {dimension_semantics = [#tpu.dimension_semantics<core_parallel>, #tpu.dimension_semantics<subcore_parallel>], iteration_bounds = array<i64: 2, 16>, scalar_prefetch = 0 : i64, scratch_operands = 7 : i64, tpu.core_type = #tpu.core_type<sc_vector_subcore>, window_params = [{transform_indices = #map}, {transform_indices = #map1}, {transform_indices = #map2}, {transform_indices = #map}, {transform_indices = #map2}]} {
    %mul3A = arith.constant 16 : i32
    %mul3A_0 = arith.muli %arg0, %mul3A : i32
    %add3A = arith.addi %mul3A_0, %arg1 : i32
    %mul3A_1 = arith.constant 624 : i32
    %mul3A_2 = arith.muli %arg1, %mul3A_1 : i32
    "tpu.region"() ({
      %run_scoped3A_26 = tpu.sem_alloc : memref<!tpu.dma_semaphore, #tpu.memory_space<semaphore_mem>>
      %dma_start3A_27 = arith.constant 0 : i32
      %dma_start3A_28 = tpu.memref_slice %arg11[%mul3A_2, %dma_start3A_27] : memref<10000x128xf32, #tpu.memory_space<vmem_shared>> -> memref<624x128xf32, #tpu.memory_space<vmem_shared>>
      %dma_start3A_29 = arith.constant 0 : i32
      %dma_start3A_30 = tpu.memref_slice %arg5[%mul3A_2, %dma_start3A_29] : memref<10000x128xf32, #tpu.memory_space<hbm>> -> memref<624x128xf32, #tpu.memory_space<hbm>>
      tpu.enqueue_dma source(%dma_start3A_30 : memref<624x128xf32, #tpu.memory_space<hbm>>) target(%dma_start3A_28 : memref<624x128xf32, #tpu.memory_space<vmem_shared>>) target_semaphore(%run_scoped3A_26 : memref<!tpu.dma_semaphore, #tpu.memory_space<semaphore_mem>>)
      %dma_wait3A_31 = arith.constant 0 : i32
      %dma_wait3A_32 = tpu.memref_slice %arg11[%mul3A_2, %dma_wait3A_31] : memref<10000x128xf32, #tpu.memory_space<vmem_shared>> -> memref<624x128xf32, #tpu.memory_space<vmem_shared>>
      %dma_wait3A_33 = arith.constant 0 : i32
      %dma_wait3A_34 = tpu.memref_slice %arg5[%mul3A_2, %dma_wait3A_33] : memref<10000x128xf32, #tpu.memory_space<hbm>> -> memref<624x128xf32, #tpu.memory_space<hbm>>
      tpu.wait_dma2 semaphore(%run_scoped3A_26 : memref<!tpu.dma_semaphore, #tpu.memory_space<semaphore_mem>>) src(%dma_wait3A_34 : memref<624x128xf32, #tpu.memory_space<hbm>>) dst(%dma_wait3A_32 : memref<624x128xf32, #tpu.memory_space<vmem_shared>>)
      tpu.yield
    }) : () -> ()
    %eq3A = arith.constant 0 : i32
    %eq3A_3 = arith.cmpi eq, %arg1, %eq3A : i32
    %convert_element_type3A = arith.extui %eq3A_3 : i1 to i32
    %cond3A = arith.constant 0 : i32
    %cond3A_4 = arith.cmpi ne, %convert_element_type3A, %cond3A : i32
    scf.if %cond3A_4 {
      "tpu.region"() ({
        %run_scoped3A_26 = tpu.sem_alloc : memref<!tpu.dma_semaphore, #tpu.memory_space<semaphore_mem>>
        %dma_start3A_27 = arith.constant 9984 : i32
        %dma_start3A_28 = arith.constant 0 : i32
        %dma_start3A_29 = tpu.memref_slice %arg11[%dma_start3A_27, %dma_start3A_28] : memref<10000x128xf32, #tpu.memory_space<vmem_shared>> -> memref<16x128xf32, #tpu.memory_space<vmem_shared>>
        %dma_start3A_30 = arith.constant 9984 : i32
        %dma_start3A_31 = arith.constant 0 : i32
        %dma_start3A_32 = tpu.memref_slice %arg5[%dma_start3A_30, %dma_start3A_31] : memref<10000x128xf32, #tpu.memory_space<hbm>> -> memref<16x128xf32, #tpu.memory_space<hbm>>
        tpu.enqueue_dma source(%dma_start3A_32 : memref<16x128xf32, #tpu.memory_space<hbm>>) target(%dma_start3A_29 : memref<16x128xf32, #tpu.memory_space<vmem_shared>>) target_semaphore(%run_scoped3A_26 : memref<!tpu.dma_semaphore, #tpu.memory_space<semaphore_mem>>)
        %dma_wait3A_33 = arith.constant 9984 : i32
        %dma_wait3A_34 = arith.constant 0 : i32
        %dma_wait3A_35 = tpu.memref_slice %arg11[%dma_wait3A_33, %dma_wait3A_34] : memref<10000x128xf32, #tpu.memory_space<vmem_shared>> -> memref<16x128xf32, #tpu.memory_space<vmem_shared>>
        %dma_wait3A_36 = arith.constant 9984 : i32
        %dma_wait3A_37 = arith.constant 0 : i32
        %dma_wait3A_38 = tpu.memref_slice %arg5[%dma_wait3A_36, %dma_wait3A_37] : memref<10000x128xf32, #tpu.memory_space<hbm>> -> memref<16x128xf32, #tpu.memory_space<hbm>>
        tpu.wait_dma2 semaphore(%run_scoped3A_26 : memref<!tpu.dma_semaphore, #tpu.memory_space<semaphore_mem>>) src(%dma_wait3A_38 : memref<16x128xf32, #tpu.memory_space<hbm>>) dst(%dma_wait3A_35 : memref<16x128xf32, #tpu.memory_space<vmem_shared>>)
        tpu.yield
      }) : () -> ()
    } else {
    }
    %mul3A_5 = arith.constant 10000 : i32
    %mul3A_6 = arith.muli %add3A, %mul3A_5 : i32
    "tpu.region"() ({
      %run_scoped3A_26 = tpu.sem_alloc : memref<!tpu.dma_semaphore, #tpu.memory_space<semaphore_mem>>
      %dma_start3A_27 = tpu.memref_slice %arg3[%mul3A_6] : memref<320000xi32, #tpu.memory_space<hbm>> -> memref<10000xi32, #tpu.memory_space<hbm>>
      %dma_start3A_28 = tpu.memref_slice %arg3[%mul3A_6] : memref<320000xi32, #tpu.memory_space<hbm>> -> memref<10000xi32, #tpu.memory_space<hbm>>
      tpu.enqueue_dma source(%dma_start3A_28 : memref<10000xi32, #tpu.memory_space<hbm>>) target(%arg7 : memref<10000xi32, #tpu.memory_space<vmem>>) target_semaphore(%run_scoped3A_26 : memref<!tpu.dma_semaphore, #tpu.memory_space<semaphore_mem>>)
      %dma_wait3A_29 = tpu.memref_slice %arg3[%mul3A_6] : memref<320000xi32, #tpu.memory_space<hbm>> -> memref<10000xi32, #tpu.memory_space<hbm>>
      %dma_wait3A_30 = tpu.memref_slice %arg3[%mul3A_6] : memref<320000xi32, #tpu.memory_space<hbm>> -> memref<10000xi32, #tpu.memory_space<hbm>>
      tpu.wait_dma2 semaphore(%run_scoped3A_26 : memref<!tpu.dma_semaphore, #tpu.memory_space<semaphore_mem>>) src(%dma_wait3A_30 : memref<10000xi32, #tpu.memory_space<hbm>>) dst(%arg7 : memref<10000xi32, #tpu.memory_space<vmem>>)
      tpu.yield
    }) : () -> ()
    "tpu.region"() ({
      %run_scoped3A_26 = tpu.sem_alloc : memref<!tpu.dma_semaphore, #tpu.memory_space<semaphore_mem>>
      %dma_start3A_27 = arith.constant 0 : i32
      %dma_start3A_28 = arith.constant 0 : i32
      %dma_start3A_29 = tpu.memref_slice %arg4[%add3A, %dma_start3A_27, %dma_start3A_28] : memref<32x125x80xi32, #tpu.memory_space<hbm>> -> memref<1x125x80xi32, #tpu.memory_space<hbm>>
      %dma_start3A_30 = tpu.memref_squeeze %dma_start3A_29 : memref<1x125x80xi32, #tpu.memory_space<hbm>> -> memref<125x80xi32, #tpu.memory_space<hbm>>
      %dma_start3A_31 = arith.constant 0 : i32
      %dma_start3A_32 = arith.constant 0 : i32
      %dma_start3A_33 = tpu.memref_slice %arg4[%add3A, %dma_start3A_31, %dma_start3A_32] : memref<32x125x80xi32, #tpu.memory_space<hbm>> -> memref<1x125x80xi32, #tpu.memory_space<hbm>>
      %dma_start3A_34 = tpu.memref_squeeze %dma_start3A_33 : memref<1x125x80xi32, #tpu.memory_space<hbm>> -> memref<125x80xi32, #tpu.memory_space<hbm>>
      tpu.enqueue_dma source(%dma_start3A_34 : memref<125x80xi32, #tpu.memory_space<hbm>>) target(%arg8 : memref<125x80xi32, #tpu.memory_space<vmem>>) target_semaphore(%run_scoped3A_26 : memref<!tpu.dma_semaphore, #tpu.memory_space<semaphore_mem>>)
      %dma_wait3A_35 = arith.constant 0 : i32
      %dma_wait3A_36 = arith.constant 0 : i32
      %dma_wait3A_37 = tpu.memref_slice %arg4[%add3A, %dma_wait3A_35, %dma_wait3A_36] : memref<32x125x80xi32, #tpu.memory_space<hbm>> -> memref<1x125x80xi32, #tpu.memory_space<hbm>>
      %dma_wait3A_38 = tpu.memref_squeeze %dma_wait3A_37 : memref<1x125x80xi32, #tpu.memory_space<hbm>> -> memref<125x80xi32, #tpu.memory_space<hbm>>
      %dma_wait3A_39 = arith.constant 0 : i32
      %dma_wait3A_40 = arith.constant 0 : i32
      %dma_wait3A_41 = tpu.memref_slice %arg4[%add3A, %dma_wait3A_39, %dma_wait3A_40] : memref<32x125x80xi32, #tpu.memory_space<hbm>> -> memref<1x125x80xi32, #tpu.memory_space<hbm>>
      %dma_wait3A_42 = tpu.memref_squeeze %dma_wait3A_41 : memref<1x125x80xi32, #tpu.memory_space<hbm>> -> memref<125x80xi32, #tpu.memory_space<hbm>>
      tpu.wait_dma2 semaphore(%run_scoped3A_26 : memref<!tpu.dma_semaphore, #tpu.memory_space<semaphore_mem>>) src(%dma_wait3A_42 : memref<125x80xi32, #tpu.memory_space<hbm>>) dst(%arg8 : memref<125x80xi32, #tpu.memory_space<vmem>>)
      tpu.yield
    }) : () -> ()
    %barrier3A = arith.constant 0 : index
    tpu.barrier barrier_id(%barrier3A)
    %dma_start3A = arith.constant 0 : i32
    %dma_start3A_7 = tpu.memref_slice %arg7[%dma_start3A] : memref<10000xi32, #tpu.memory_space<vmem>> -> memref<80xi32, #tpu.memory_space<vmem>>
    %dma_start3A_8 = arith.constant 0 : i32
    %dma_start3A_9 = arith.constant 0 : i32
    %dma_start3A_10 = tpu.memref_slice %arg2[%dma_start3A_8, %dma_start3A_9] : memref<10000x128xf32, #tpu.memory_space<hbm>> -> memref<10000x128xf32, #tpu.memory_space<hbm>>
    tpu.enqueue_indirect_dma source(%dma_start3A_10 : memref<10000x128xf32, #tpu.memory_space<hbm>>) target(%arg9 : memref<80x128xf32, #tpu.memory_space<vmem>>) offsets(%dma_start3A_7 : memref<80xi32, #tpu.memory_space<vmem>>) semaphore(%arg12 : memref<!tpu.dma_semaphore, #tpu.memory_space<semaphore_mem>>)
    %scan3A = arith.constant 0 : i32
    %scan3A_11 = arith.constant 0 : i32
    %scan3A_12 = arith.constant 62 : i32
    %scan3A_13 = arith.addi %scan3A_11, %scan3A_12 : i32
    %scan3A_14 = arith.constant 1 : i32
    scf.for %scan3A_26 = %scan3A_11 to %scan3A_13 step %scan3A_14  : i32 {
      %mul3A_27 = arith.constant 2 : i32
      %mul3A_28 = arith.muli %mul3A_27, %scan3A_26 : i32
      %add3A_29 = arith.constant 1 : i32
      %add3A_30 = arith.addi %mul3A_28, %add3A_29 : i32
      %mul3A_31 = arith.constant 80 : i32
      %mul3A_32 = arith.muli %add3A_30, %mul3A_31 : i32
      %dma_start3A_33 = tpu.memref_slice %arg7[%mul3A_32] : memref<10000xi32, #tpu.memory_space<vmem>> -> memref<80xi32, #tpu.memory_space<vmem>>
      %dma_start3A_34 = arith.constant 0 : i32
      %dma_start3A_35 = arith.constant 0 : i32
      %dma_start3A_36 = tpu.memref_slice %arg2[%dma_start3A_34, %dma_start3A_35] : memref<10000x128xf32, #tpu.memory_space<hbm>> -> memref<10000x128xf32, #tpu.memory_space<hbm>>
      tpu.enqueue_indirect_dma source(%dma_start3A_36 : memref<10000x128xf32, #tpu.memory_space<hbm>>) target(%arg10 : memref<80x128xf32, #tpu.memory_space<vmem>>) offsets(%dma_start3A_33 : memref<80xi32, #tpu.memory_space<vmem>>) semaphore(%arg13 : memref<!tpu.dma_semaphore, #tpu.memory_space<semaphore_mem>>)
      %mul3A_37 = arith.constant 80 : i32
      %mul3A_38 = arith.muli %mul3A_28, %mul3A_37 : i32
      %dma_wait3A_39 = tpu.memref_slice %arg7[%mul3A_38] : memref<10000xi32, #tpu.memory_space<vmem>> -> memref<80xi32, #tpu.memory_space<vmem>>
      %dma_wait3A_40 = arith.constant 0 : i32
      %dma_wait3A_41 = arith.constant 0 : i32
      %dma_wait3A_42 = tpu.memref_slice %arg2[%dma_wait3A_40, %dma_wait3A_41] : memref<10000x128xf32, #tpu.memory_space<hbm>> -> memref<10000x128xf32, #tpu.memory_space<hbm>>
      tpu.wait_indirect_dma semaphore(%arg12 : memref<!tpu.dma_semaphore, #tpu.memory_space<semaphore_mem>>) src(%dma_wait3A_42 : memref<10000x128xf32, #tpu.memory_space<hbm>>) dst(%arg9 : memref<80x128xf32, #tpu.memory_space<vmem>>)
      "tpu.region"() ({
        %run_scoped3A_61 = tpu.sem_alloc : memref<!tpu.dma_semaphore, #tpu.memory_space<semaphore_mem>>
        %dma_start3A_62 = arith.constant 0 : i32
        %dma_start3A_63 = tpu.memref_slice %arg8[%mul3A_28, %dma_start3A_62] : memref<125x80xi32, #tpu.memory_space<vmem>> -> memref<1x80xi32, #tpu.memory_space<vmem>>
        %dma_start3A_64 = tpu.memref_squeeze %dma_start3A_63 : memref<1x80xi32, #tpu.memory_space<vmem>> -> memref<80xi32, #tpu.memory_space<vmem>>
        %dma_start3A_65 = arith.constant 0 : i32
        %dma_start3A_66 = arith.constant 0 : i32
        %dma_start3A_67 = tpu.memref_slice %arg11[%dma_start3A_65, %dma_start3A_66] : memref<10000x128xf32, #tpu.memory_space<vmem_shared>> -> memref<10000x128xf32, #tpu.memory_space<vmem_shared>>
        tpu.enqueue_indirect_dma source(%arg9 : memref<80x128xf32, #tpu.memory_space<vmem>>) target(%dma_start3A_67 : memref<10000x128xf32, #tpu.memory_space<vmem_shared>>) offsets(%dma_start3A_64 : memref<80xi32, #tpu.memory_space<vmem>>) semaphore(%run_scoped3A_61 : memref<!tpu.dma_semaphore, #tpu.memory_space<semaphore_mem>>) {add = true}
        %dma_wait3A_68 = arith.constant 0 : i32
        %dma_wait3A_69 = tpu.memref_slice %arg8[%mul3A_28, %dma_wait3A_68] : memref<125x80xi32, #tpu.memory_space<vmem>> -> memref<1x80xi32, #tpu.memory_space<vmem>>
        %dma_wait3A_70 = tpu.memref_squeeze %dma_wait3A_69 : memref<1x80xi32, #tpu.memory_space<vmem>> -> memref<80xi32, #tpu.memory_space<vmem>>
        %dma_wait3A_71 = arith.constant 0 : i32
        %dma_wait3A_72 = arith.constant 0 : i32
        %dma_wait3A_73 = tpu.memref_slice %arg11[%dma_wait3A_71, %dma_wait3A_72] : memref<10000x128xf32, #tpu.memory_space<vmem_shared>> -> memref<10000x128xf32, #tpu.memory_space<vmem_shared>>
        tpu.wait_indirect_dma semaphore(%run_scoped3A_61 : memref<!tpu.dma_semaphore, #tpu.memory_space<semaphore_mem>>) src(%arg9 : memref<80x128xf32, #tpu.memory_space<vmem>>) dst(%dma_wait3A_73 : memref<10000x128xf32, #tpu.memory_space<vmem_shared>>)
        tpu.yield
      }) : () -> ()
      %add3A_43 = arith.constant 2 : i32
      %add3A_44 = arith.addi %mul3A_28, %add3A_43 : i32
      %mul3A_45 = arith.constant 80 : i32
      %mul3A_46 = arith.muli %add3A_44, %mul3A_45 : i32
      %dma_start3A_47 = tpu.memref_slice %arg7[%mul3A_46] : memref<10000xi32, #tpu.memory_space<vmem>> -> memref<80xi32, #tpu.memory_space<vmem>>
      %dma_start3A_48 = arith.constant 0 : i32
      %dma_start3A_49 = arith.constant 0 : i32
      %dma_start3A_50 = tpu.memref_slice %arg2[%dma_start3A_48, %dma_start3A_49] : memref<10000x128xf32, #tpu.memory_space<hbm>> -> memref<10000x128xf32, #tpu.memory_space<hbm>>
      tpu.enqueue_indirect_dma source(%dma_start3A_50 : memref<10000x128xf32, #tpu.memory_space<hbm>>) target(%arg9 : memref<80x128xf32, #tpu.memory_space<vmem>>) offsets(%dma_start3A_47 : memref<80xi32, #tpu.memory_space<vmem>>) semaphore(%arg12 : memref<!tpu.dma_semaphore, #tpu.memory_space<semaphore_mem>>)
      %add3A_51 = arith.constant 1 : i32
      %add3A_52 = arith.addi %mul3A_28, %add3A_51 : i32
      %mul3A_53 = arith.constant 80 : i32
      %mul3A_54 = arith.muli %add3A_52, %mul3A_53 : i32
      %dma_wait3A_55 = tpu.memref_slice %arg7[%mul3A_54] : memref<10000xi32, #tpu.memory_space<vmem>> -> memref<80xi32, #tpu.memory_space<vmem>>
      %dma_wait3A_56 = arith.constant 0 : i32
      %dma_wait3A_57 = arith.constant 0 : i32
      %dma_wait3A_58 = tpu.memref_slice %arg2[%dma_wait3A_56, %dma_wait3A_57] : memref<10000x128xf32, #tpu.memory_space<hbm>> -> memref<10000x128xf32, #tpu.memory_space<hbm>>
      tpu.wait_indirect_dma semaphore(%arg13 : memref<!tpu.dma_semaphore, #tpu.memory_space<semaphore_mem>>) src(%dma_wait3A_58 : memref<10000x128xf32, #tpu.memory_space<hbm>>) dst(%arg10 : memref<80x128xf32, #tpu.memory_space<vmem>>)
      %add3A_59 = arith.constant 1 : i32
      %add3A_60 = arith.addi %mul3A_28, %add3A_59 : i32
      "tpu.region"() ({
        %run_scoped3A_61 = tpu.sem_alloc : memref<!tpu.dma_semaphore, #tpu.memory_space<semaphore_mem>>
        %dma_start3A_62 = arith.constant 0 : i32
        %dma_start3A_63 = tpu.memref_slice %arg8[%add3A_60, %dma_start3A_62] : memref<125x80xi32, #tpu.memory_space<vmem>> -> memref<1x80xi32, #tpu.memory_space<vmem>>
        %dma_start3A_64 = tpu.memref_squeeze %dma_start3A_63 : memref<1x80xi32, #tpu.memory_space<vmem>> -> memref<80xi32, #tpu.memory_space<vmem>>
        %dma_start3A_65 = arith.constant 0 : i32
        %dma_start3A_66 = arith.constant 0 : i32
        %dma_start3A_67 = tpu.memref_slice %arg11[%dma_start3A_65, %dma_start3A_66] : memref<10000x128xf32, #tpu.memory_space<vmem_shared>> -> memref<10000x128xf32, #tpu.memory_space<vmem_shared>>
        tpu.enqueue_indirect_dma source(%arg10 : memref<80x128xf32, #tpu.memory_space<vmem>>) target(%dma_start3A_67 : memref<10000x128xf32, #tpu.memory_space<vmem_shared>>) offsets(%dma_start3A_64 : memref<80xi32, #tpu.memory_space<vmem>>) semaphore(%run_scoped3A_61 : memref<!tpu.dma_semaphore, #tpu.memory_space<semaphore_mem>>) {add = true}
        %dma_wait3A_68 = arith.constant 0 : i32
        %dma_wait3A_69 = tpu.memref_slice %arg8[%add3A_60, %dma_wait3A_68] : memref<125x80xi32, #tpu.memory_space<vmem>> -> memref<1x80xi32, #tpu.memory_space<vmem>>
        %dma_wait3A_70 = tpu.memref_squeeze %dma_wait3A_69 : memref<1x80xi32, #tpu.memory_space<vmem>> -> memref<80xi32, #tpu.memory_space<vmem>>
        %dma_wait3A_71 = arith.constant 0 : i32
        %dma_wait3A_72 = arith.constant 0 : i32
        %dma_wait3A_73 = tpu.memref_slice %arg11[%dma_wait3A_71, %dma_wait3A_72] : memref<10000x128xf32, #tpu.memory_space<vmem_shared>> -> memref<10000x128xf32, #tpu.memory_space<vmem_shared>>
        tpu.wait_indirect_dma semaphore(%run_scoped3A_61 : memref<!tpu.dma_semaphore, #tpu.memory_space<semaphore_mem>>) src(%arg10 : memref<80x128xf32, #tpu.memory_space<vmem>>) dst(%dma_wait3A_73 : memref<10000x128xf32, #tpu.memory_space<vmem_shared>>)
        tpu.yield
      }) : () -> ()
    }
    %scan3A_15 = arith.constant 62 : i32
    %dma_wait3A = arith.constant 9920 : i32
    %dma_wait3A_16 = tpu.memref_slice %arg7[%dma_wait3A] : memref<10000xi32, #tpu.memory_space<vmem>> -> memref<80xi32, #tpu.memory_space<vmem>>
    %dma_wait3A_17 = arith.constant 0 : i32
    %dma_wait3A_18 = arith.constant 0 : i32
    %dma_wait3A_19 = tpu.memref_slice %arg2[%dma_wait3A_17, %dma_wait3A_18] : memref<10000x128xf32, #tpu.memory_space<hbm>> -> memref<10000x128xf32, #tpu.memory_space<hbm>>
    tpu.wait_indirect_dma semaphore(%arg12 : memref<!tpu.dma_semaphore, #tpu.memory_space<semaphore_mem>>) src(%dma_wait3A_19 : memref<10000x128xf32, #tpu.memory_space<hbm>>) dst(%arg9 : memref<80x128xf32, #tpu.memory_space<vmem>>)
    %run_scoped3A = arith.constant 124 : i32
    "tpu.region"() ({
      %run_scoped3A_26 = tpu.sem_alloc : memref<!tpu.dma_semaphore, #tpu.memory_space<semaphore_mem>>
      %dma_start3A_27 = arith.constant 0 : i32
      %dma_start3A_28 = tpu.memref_slice %arg8[%run_scoped3A, %dma_start3A_27] : memref<125x80xi32, #tpu.memory_space<vmem>> -> memref<1x80xi32, #tpu.memory_space<vmem>>
      %dma_start3A_29 = tpu.memref_squeeze %dma_start3A_28 : memref<1x80xi32, #tpu.memory_space<vmem>> -> memref<80xi32, #tpu.memory_space<vmem>>
      %dma_start3A_30 = arith.constant 0 : i32
      %dma_start3A_31 = arith.constant 0 : i32
      %dma_start3A_32 = tpu.memref_slice %arg11[%dma_start3A_30, %dma_start3A_31] : memref<10000x128xf32, #tpu.memory_space<vmem_shared>> -> memref<10000x128xf32, #tpu.memory_space<vmem_shared>>
      tpu.enqueue_indirect_dma source(%arg9 : memref<80x128xf32, #tpu.memory_space<vmem>>) target(%dma_start3A_32 : memref<10000x128xf32, #tpu.memory_space<vmem_shared>>) offsets(%dma_start3A_29 : memref<80xi32, #tpu.memory_space<vmem>>) semaphore(%run_scoped3A_26 : memref<!tpu.dma_semaphore, #tpu.memory_space<semaphore_mem>>) {add = true}
      %dma_wait3A_33 = arith.constant 0 : i32
      %dma_wait3A_34 = tpu.memref_slice %arg8[%run_scoped3A, %dma_wait3A_33] : memref<125x80xi32, #tpu.memory_space<vmem>> -> memref<1x80xi32, #tpu.memory_space<vmem>>
      %dma_wait3A_35 = tpu.memref_squeeze %dma_wait3A_34 : memref<1x80xi32, #tpu.memory_space<vmem>> -> memref<80xi32, #tpu.memory_space<vmem>>
      %dma_wait3A_36 = arith.constant 0 : i32
      %dma_wait3A_37 = arith.constant 0 : i32
      %dma_wait3A_38 = tpu.memref_slice %arg11[%dma_wait3A_36, %dma_wait3A_37] : memref<10000x128xf32, #tpu.memory_space<vmem_shared>> -> memref<10000x128xf32, #tpu.memory_space<vmem_shared>>
      tpu.wait_indirect_dma semaphore(%run_scoped3A_26 : memref<!tpu.dma_semaphore, #tpu.memory_space<semaphore_mem>>) src(%arg9 : memref<80x128xf32, #tpu.memory_space<vmem>>) dst(%dma_wait3A_38 : memref<10000x128xf32, #tpu.memory_space<vmem_shared>>)
      tpu.yield
    }) : () -> ()
    %barrier3A_20 = arith.constant 0 : index
    tpu.barrier barrier_id(%barrier3A_20)
    "tpu.region"() ({
      %run_scoped3A_26 = tpu.sem_alloc : memref<!tpu.dma_semaphore, #tpu.memory_space<semaphore_mem>>
      %dma_start3A_27 = arith.constant 0 : i32
      %dma_start3A_28 = tpu.memref_slice %arg6[%arg0, %mul3A_2, %dma_start3A_27] : memref<2x10000x128xf32, #tpu.memory_space<hbm>> -> memref<1x624x128xf32, #tpu.memory_space<hbm>>
      %dma_start3A_29 = tpu.memref_squeeze %dma_start3A_28 : memref<1x624x128xf32, #tpu.memory_space<hbm>> -> memref<624x128xf32, #tpu.memory_space<hbm>>
      %dma_start3A_30 = arith.constant 0 : i32
      %dma_start3A_31 = tpu.memref_slice %arg11[%mul3A_2, %dma_start3A_30] : memref<10000x128xf32, #tpu.memory_space<vmem_shared>> -> memref<624x128xf32, #tpu.memory_space<vmem_shared>>
      tpu.enqueue_dma source(%dma_start3A_31 : memref<624x128xf32, #tpu.memory_space<vmem_shared>>) target(%dma_start3A_29 : memref<624x128xf32, #tpu.memory_space<hbm>>) target_semaphore(%run_scoped3A_26 : memref<!tpu.dma_semaphore, #tpu.memory_space<semaphore_mem>>)
      %dma_wait3A_32 = arith.constant 0 : i32
      %dma_wait3A_33 = tpu.memref_slice %arg6[%arg0, %mul3A_2, %dma_wait3A_32] : memref<2x10000x128xf32, #tpu.memory_space<hbm>> -> memref<1x624x128xf32, #tpu.memory_space<hbm>>
      %dma_wait3A_34 = tpu.memref_squeeze %dma_wait3A_33 : memref<1x624x128xf32, #tpu.memory_space<hbm>> -> memref<624x128xf32, #tpu.memory_space<hbm>>
      %dma_wait3A_35 = arith.constant 0 : i32
      %dma_wait3A_36 = tpu.memref_slice %arg11[%mul3A_2, %dma_wait3A_35] : memref<10000x128xf32, #tpu.memory_space<vmem_shared>> -> memref<624x128xf32, #tpu.memory_space<vmem_shared>>
      tpu.wait_dma2 semaphore(%run_scoped3A_26 : memref<!tpu.dma_semaphore, #tpu.memory_space<semaphore_mem>>) src(%dma_wait3A_36 : memref<624x128xf32, #tpu.memory_space<vmem_shared>>) dst(%dma_wait3A_34 : memref<624x128xf32, #tpu.memory_space<hbm>>)
      tpu.yield
    }) : () -> ()
    %eq3A_21 = arith.constant 0 : i32
    %eq3A_22 = arith.cmpi eq, %arg1, %eq3A_21 : i32
    %convert_element_type3A_23 = arith.extui %eq3A_22 : i1 to i32
    %cond3A_24 = arith.constant 0 : i32
    %cond3A_25 = arith.cmpi ne, %convert_element_type3A_23, %cond3A_24 : i32
    scf.if %cond3A_25 {
      "tpu.region"() ({
        %run_scoped3A_26 = tpu.sem_alloc : memref<!tpu.dma_semaphore, #tpu.memory_space<semaphore_mem>>
        %dma_start3A_27 = arith.constant 9984 : i32
        %dma_start3A_28 = arith.constant 0 : i32
        %dma_start3A_29 = tpu.memref_slice %arg6[%arg0, %dma_start3A_27, %dma_start3A_28] : memref<2x10000x128xf32, #tpu.memory_space<hbm>> -> memref<1x16x128xf32, #tpu.memory_space<hbm>>
        %dma_start3A_30 = tpu.memref_squeeze %dma_start3A_29 : memref<1x16x128xf32, #tpu.memory_space<hbm>> -> memref<16x128xf32, #tpu.memory_space<hbm>>
        %dma_start3A_31 = arith.constant 9984 : i32
        %dma_start3A_32 = arith.constant 0 : i32
        %dma_start3A_33 = tpu.memref_slice %arg11[%dma_start3A_31, %dma_start3A_32] : memref<10000x128xf32, #tpu.memory_space<vmem_shared>> -> memref<16x128xf32, #tpu.memory_space<vmem_shared>>
        tpu.enqueue_dma source(%dma_start3A_33 : memref<16x128xf32, #tpu.memory_space<vmem_shared>>) target(%dma_start3A_30 : memref<16x128xf32, #tpu.memory_space<hbm>>) target_semaphore(%run_scoped3A_26 : memref<!tpu.dma_semaphore, #tpu.memory_space<semaphore_mem>>)
        %dma_wait3A_34 = arith.constant 9984 : i32
        %dma_wait3A_35 = arith.constant 0 : i32
        %dma_wait3A_36 = tpu.memref_slice %arg6[%arg0, %dma_wait3A_34, %dma_wait3A_35] : memref<2x10000x128xf32, #tpu.memory_space<hbm>> -> memref<1x16x128xf32, #tpu.memory_space<hbm>>
        %dma_wait3A_37 = tpu.memref_squeeze %dma_wait3A_36 : memref<1x16x128xf32, #tpu.memory_space<hbm>> -> memref<16x128xf32, #tpu.memory_space<hbm>>
        %dma_wait3A_38 = arith.constant 9984 : i32
        %dma_wait3A_39 = arith.constant 0 : i32
        %dma_wait3A_40 = tpu.memref_slice %arg11[%dma_wait3A_38, %dma_wait3A_39] : memref<10000x128xf32, #tpu.memory_space<vmem_shared>> -> memref<16x128xf32, #tpu.memory_space<vmem_shared>>
        tpu.wait_dma2 semaphore(%run_scoped3A_26 : memref<!tpu.dma_semaphore, #tpu.memory_space<semaphore_mem>>) src(%dma_wait3A_40 : memref<16x128xf32, #tpu.memory_space<vmem_shared>>) dst(%dma_wait3A_37 : memref<16x128xf32, #tpu.memory_space<hbm>>)
        tpu.yield
      }) : () -> ()
    } else {
    }
    return
  }
}

module attributes {stable_mosaic.version = 14 : i64} {
  func.func @body(%arg0: i32, %arg1: memref<2000x128xf32, #tpu.memory_space<vmem>>, %arg2: memref<1x2000x128xf32, #tpu.memory_space<vmem>>, %arg3: memref<1x2000x128xf32, #tpu.memory_space<vmem>>, %arg4: memref<128x128xf32, #tpu.memory_space<vmem>>, %arg5: memref<1x128xf32, #tpu.memory_space<vmem>>, %arg6: memref<128x128xf32, #tpu.memory_space<vmem>>, %arg7: memref<1x128xf32, #tpu.memory_space<vmem>>, %arg8: memref<2000x128xf32, #tpu.memory_space<vmem>>) attributes {dimension_semantics = [#tpu.dimension_semantics<arbitrary>], iteration_bounds = array<i64: 5>, scalar_prefetch = 0 : i64, scratch_operands = 0 : i64, tpu.core_type = #tpu.core_type<tc>, window_params = [{transform_indices = @transform_0, window_bounds = array<i64: 2000, 128>}, {transform_indices = @transform_1, window_bounds = array<i64: 1, 2000, 128>}, {transform_indices = @transform_2, window_bounds = array<i64: 1, 2000, 128>}, {pipeline_mode = #tpu.pipeline_mode<synchronous>, transform_indices = @transform_3, window_bounds = array<i64: 128, 128>}, {pipeline_mode = #tpu.pipeline_mode<synchronous>, transform_indices = @transform_4, window_bounds = array<i64: 1, 128>}, {pipeline_mode = #tpu.pipeline_mode<synchronous>, transform_indices = @transform_5, window_bounds = array<i64: 128, 128>}, {pipeline_mode = #tpu.pipeline_mode<synchronous>, transform_indices = @transform_6, window_bounds = array<i64: 1, 128>}, {transform_indices = @transform_7, window_bounds = array<i64: 2000, 128>}]} {
    %get3A = arith.constant 0 : index
    %get3A_0 = arith.constant 0 : index
    %get3A_1 = vector.load %arg1[%get3A, %get3A_0] : memref<2000x128xf32, #tpu.memory_space<vmem>>, vector<2000x128xf32>
    %get3A_2 = arith.constant 0 : index
    %get3A_3 = arith.constant 0 : index
    %get3A_4 = arith.constant 0 : index
    %get3A_5 = vector.load %arg2[%get3A_2, %get3A_3, %get3A_4] : memref<1x2000x128xf32, #tpu.memory_space<vmem>>, vector<1x2000x128xf32>
    %get3A_6 = vector.shape_cast %get3A_5 : vector<1x2000x128xf32> to vector<2000x128xf32>
    %add3A = arith.addf %get3A_1, %get3A_6 : vector<2000x128xf32>
    %get3A_7 = arith.constant 0 : index
    %get3A_8 = arith.constant 0 : index
    %get3A_9 = arith.constant 0 : index
    %get3A_10 = vector.load %arg3[%get3A_7, %get3A_8, %get3A_9] : memref<1x2000x128xf32, #tpu.memory_space<vmem>>, vector<1x2000x128xf32>
    %get3A_11 = vector.shape_cast %get3A_10 : vector<1x2000x128xf32> to vector<2000x128xf32>
    %add3A_12 = arith.addf %add3A, %get3A_11 : vector<2000x128xf32>
    %get3A_13 = arith.constant 0 : index
    %get3A_14 = arith.constant 0 : index
    %get3A_15 = vector.load %arg4[%get3A_13, %get3A_14] : memref<128x128xf32, #tpu.memory_space<vmem>>, vector<128x128xf32>
    %dot_general3A = arith.constant dense<0.000000e+00> : vector<2000x128xf32>
    %dot_general3A_16 = tpu.matmul %add3A_12, %get3A_15, %dot_general3A {dimension_numbers = #tpu.dot_dimension_numbers<[1], [0], [0], [1], [0, 0, 1, 1], [], []>, transpose_lhs_hint = false} : vector<2000x128xf32>, vector<128x128xf32>, vector<2000x128xf32> -> vector<2000x128xf32>
    %get3A_17 = arith.constant 0 : index
    %get3A_18 = arith.constant 0 : index
    %get3A_19 = vector.load %arg5[%get3A_17, %get3A_18] : memref<1x128xf32, #tpu.memory_space<vmem>>, vector<1x128xf32>
    %add3A_20 = vector.broadcast %get3A_19 : vector<1x128xf32> to vector<2000x128xf32>
    %add3A_21 = arith.addf %dot_general3A_16, %add3A_20 : vector<2000x128xf32>
    %max3A = arith.constant 0.000000e+00 : f32
    %max3A_22 = vector.broadcast %max3A : f32 to vector<2000x128xf32>
    %max3A_23 = arith.maximumf %add3A_21, %max3A_22 : vector<2000x128xf32>
    %get3A_24 = arith.constant 0 : index
    %get3A_25 = arith.constant 0 : index
    %get3A_26 = vector.load %arg6[%get3A_24, %get3A_25] : memref<128x128xf32, #tpu.memory_space<vmem>>, vector<128x128xf32>
    %dot_general3A_27 = arith.constant dense<0.000000e+00> : vector<2000x128xf32>
    %dot_general3A_28 = tpu.matmul %max3A_23, %get3A_26, %dot_general3A_27 {dimension_numbers = #tpu.dot_dimension_numbers<[1], [0], [0], [1], [0, 0, 1, 1], [], []>, transpose_lhs_hint = false} : vector<2000x128xf32>, vector<128x128xf32>, vector<2000x128xf32> -> vector<2000x128xf32>
    %get3A_29 = arith.constant 0 : index
    %get3A_30 = arith.constant 0 : index
    %get3A_31 = vector.load %arg7[%get3A_29, %get3A_30] : memref<1x128xf32, #tpu.memory_space<vmem>>, vector<1x128xf32>
    %add3A_32 = vector.broadcast %get3A_31 : vector<1x128xf32> to vector<2000x128xf32>
    %add3A_33 = arith.addf %dot_general3A_28, %add3A_32 : vector<2000x128xf32>
    %max3A_34 = arith.constant 0.000000e+00 : f32
    %max3A_35 = vector.broadcast %max3A_34 : f32 to vector<2000x128xf32>
    %max3A_36 = arith.maximumf %add3A_33, %max3A_35 : vector<2000x128xf32>
    %swap3A = arith.constant 0 : index
    %swap3A_37 = arith.constant 0 : index
    %swap3A_38 = vector.load %arg8[%swap3A, %swap3A_37] : memref<2000x128xf32, #tpu.memory_space<vmem>>, vector<2000x128xf32>
    tpu.vector_store %arg8[%swap3A, %swap3A_37], %max3A_36 {strides = array<i32>} : memref<2000x128xf32, #tpu.memory_space<vmem>>, vector<2000x128xf32>,
    return
  }
  func.func @transform_0(%arg0: i32) -> (i32, i32) {
    %c0_i32 = arith.constant 0 : i32
    %c0_i32_0 = arith.constant 0 : i32
    return %arg0, %c0_i32 : i32, i32
  }
  func.func @transform_1(%arg0: i32) -> (i32, i32, i32) {
    %c0_i32 = arith.constant 0 : i32
    %c0_i32_0 = arith.constant 0 : i32
    %c0_i32_1 = arith.constant 0 : i32
    return %c0_i32, %arg0, %c0_i32_0 : i32, i32, i32
  }
  func.func @transform_2(%arg0: i32) -> (i32, i32, i32) {
    %c1_i32 = arith.constant 1 : i32
    %c0_i32 = arith.constant 0 : i32
    %c0_i32_0 = arith.constant 0 : i32
    return %c1_i32, %arg0, %c0_i32 : i32, i32, i32
  }
  func.func @transform_3(%arg0: i32) -> (i32, i32) {
    %c0_i32 = arith.constant 0 : i32
    %c0_i32_0 = arith.constant 0 : i32
    %c0_i32_1 = arith.constant 0 : i32
    return %c0_i32, %c0_i32_0 : i32, i32
  }
  func.func @transform_4(%arg0: i32) -> (i32, i32) {
    %c0_i32 = arith.constant 0 : i32
    %c0_i32_0 = arith.constant 0 : i32
    %c0_i32_1 = arith.constant 0 : i32
    return %c0_i32, %c0_i32_0 : i32, i32
  }
  func.func @transform_5(%arg0: i32) -> (i32, i32) {
    %c0_i32 = arith.constant 0 : i32
    %c0_i32_0 = arith.constant 0 : i32
    %c0_i32_1 = arith.constant 0 : i32
    return %c0_i32, %c0_i32_0 : i32, i32
  }
  func.func @transform_6(%arg0: i32) -> (i32, i32) {
    %c0_i32 = arith.constant 0 : i32
    %c0_i32_0 = arith.constant 0 : i32
    %c0_i32_1 = arith.constant 0 : i32
    return %c0_i32, %c0_i32_0 : i32, i32
  }
  func.func @transform_7(%arg0: i32) -> (i32, i32) {
    %c0_i32 = arith.constant 0 : i32
    %c0_i32_0 = arith.constant 0 : i32
    return %arg0, %c0_i32 : i32, i32
  }
}

module attributes {stable_mosaic.version = 14 : i64} {
  func.func @body(%arg0: i32, %arg1: memref<2000x128xf32, #tpu.memory_space<vmem>>, %arg2: memref<1x2000x128xf32, #tpu.memory_space<vmem>>, %arg3: memref<1x2000x128xf32, #tpu.memory_space<vmem>>, %arg4: memref<128x128xf32, #tpu.memory_space<vmem>>, %arg5: memref<1x128xf32, #tpu.memory_space<vmem>>, %arg6: memref<128x64xf32, #tpu.memory_space<vmem>>, %arg7: memref<1x64xf32, #tpu.memory_space<vmem>>, %arg8: memref<2000x64xf32, #tpu.memory_space<vmem>>) attributes {dimension_semantics = [#tpu.dimension_semantics<arbitrary>], iteration_bounds = array<i64: 5>, scalar_prefetch = 0 : i64, scratch_operands = 0 : i64, tpu.core_type = #tpu.core_type<tc>, window_params = [{transform_indices = @transform_0, window_bounds = array<i64: 2000, 128>}, {transform_indices = @transform_1, window_bounds = array<i64: 1, 2000, 128>}, {transform_indices = @transform_2, window_bounds = array<i64: 1, 2000, 128>}, {pipeline_mode = #tpu.pipeline_mode<synchronous>, transform_indices = @transform_3, window_bounds = array<i64: 128, 128>}, {pipeline_mode = #tpu.pipeline_mode<synchronous>, transform_indices = @transform_4, window_bounds = array<i64: 1, 128>}, {pipeline_mode = #tpu.pipeline_mode<synchronous>, transform_indices = @transform_5, window_bounds = array<i64: 128, 64>}, {pipeline_mode = #tpu.pipeline_mode<synchronous>, transform_indices = @transform_6, window_bounds = array<i64: 1, 64>}, {transform_indices = @transform_7, window_bounds = array<i64: 2000, 64>}]} {
    %get3A = arith.constant 0 : index
    %get3A_0 = arith.constant 0 : index
    %get3A_1 = vector.load %arg1[%get3A, %get3A_0] : memref<2000x128xf32, #tpu.memory_space<vmem>>, vector<2000x128xf32>
    %get3A_2 = arith.constant 0 : index
    %get3A_3 = arith.constant 0 : index
    %get3A_4 = arith.constant 0 : index
    %get3A_5 = vector.load %arg2[%get3A_2, %get3A_3, %get3A_4] : memref<1x2000x128xf32, #tpu.memory_space<vmem>>, vector<1x2000x128xf32>
    %get3A_6 = vector.shape_cast %get3A_5 : vector<1x2000x128xf32> to vector<2000x128xf32>
    %add3A = arith.addf %get3A_1, %get3A_6 : vector<2000x128xf32>
    %get3A_7 = arith.constant 0 : index
    %get3A_8 = arith.constant 0 : index
    %get3A_9 = arith.constant 0 : index
    %get3A_10 = vector.load %arg3[%get3A_7, %get3A_8, %get3A_9] : memref<1x2000x128xf32, #tpu.memory_space<vmem>>, vector<1x2000x128xf32>
    %get3A_11 = vector.shape_cast %get3A_10 : vector<1x2000x128xf32> to vector<2000x128xf32>
    %add3A_12 = arith.addf %add3A, %get3A_11 : vector<2000x128xf32>
    %get3A_13 = arith.constant 0 : index
    %get3A_14 = arith.constant 0 : index
    %get3A_15 = vector.load %arg4[%get3A_13, %get3A_14] : memref<128x128xf32, #tpu.memory_space<vmem>>, vector<128x128xf32>
    %dot_general3A = arith.constant dense<0.000000e+00> : vector<2000x128xf32>
    %dot_general3A_16 = tpu.matmul %add3A_12, %get3A_15, %dot_general3A {dimension_numbers = #tpu.dot_dimension_numbers<[1], [0], [0], [1], [0, 0, 1, 1], [], []>, transpose_lhs_hint = false} : vector<2000x128xf32>, vector<128x128xf32>, vector<2000x128xf32> -> vector<2000x128xf32>
    %get3A_17 = arith.constant 0 : index
    %get3A_18 = arith.constant 0 : index
    %get3A_19 = vector.load %arg5[%get3A_17, %get3A_18] : memref<1x128xf32, #tpu.memory_space<vmem>>, vector<1x128xf32>
    %add3A_20 = vector.broadcast %get3A_19 : vector<1x128xf32> to vector<2000x128xf32>
    %add3A_21 = arith.addf %dot_general3A_16, %add3A_20 : vector<2000x128xf32>
    %max3A = arith.constant 0.000000e+00 : f32
    %max3A_22 = vector.broadcast %max3A : f32 to vector<2000x128xf32>
    %max3A_23 = arith.maximumf %add3A_21, %max3A_22 : vector<2000x128xf32>
    %get3A_24 = arith.constant 0 : index
    %get3A_25 = arith.constant 0 : index
    %get3A_26 = vector.load %arg6[%get3A_24, %get3A_25] : memref<128x64xf32, #tpu.memory_space<vmem>>, vector<128x64xf32>
    %dot_general3A_27 = arith.constant dense<0.000000e+00> : vector<2000x64xf32>
    %dot_general3A_28 = tpu.matmul %max3A_23, %get3A_26, %dot_general3A_27 {dimension_numbers = #tpu.dot_dimension_numbers<[1], [0], [0], [1], [0, 0, 1, 1], [], []>, transpose_lhs_hint = false} : vector<2000x128xf32>, vector<128x64xf32>, vector<2000x64xf32> -> vector<2000x64xf32>
    %get3A_29 = arith.constant 0 : index
    %get3A_30 = arith.constant 0 : index
    %get3A_31 = vector.load %arg7[%get3A_29, %get3A_30] : memref<1x64xf32, #tpu.memory_space<vmem>>, vector<1x64xf32>
    %add3A_32 = vector.broadcast %get3A_31 : vector<1x64xf32> to vector<2000x64xf32>
    %add3A_33 = arith.addf %dot_general3A_28, %add3A_32 : vector<2000x64xf32>
    %swap3A = arith.constant 0 : index
    %swap3A_34 = arith.constant 0 : index
    %swap3A_35 = vector.load %arg8[%swap3A, %swap3A_34] : memref<2000x64xf32, #tpu.memory_space<vmem>>, vector<2000x64xf32>
    tpu.vector_store %arg8[%swap3A, %swap3A_34], %add3A_33 {strides = array<i32>} : memref<2000x64xf32, #tpu.memory_space<vmem>>, vector<2000x64xf32>,
    return
  }
  func.func @transform_0(%arg0: i32) -> (i32, i32) {
    %c0_i32 = arith.constant 0 : i32
    %c0_i32_0 = arith.constant 0 : i32
    return %arg0, %c0_i32 : i32, i32
  }
  func.func @transform_1(%arg0: i32) -> (i32, i32, i32) {
    %c0_i32 = arith.constant 0 : i32
    %c0_i32_0 = arith.constant 0 : i32
    %c0_i32_1 = arith.constant 0 : i32
    return %c0_i32, %arg0, %c0_i32_0 : i32, i32, i32
  }
  func.func @transform_2(%arg0: i32) -> (i32, i32, i32) {
    %c1_i32 = arith.constant 1 : i32
    %c0_i32 = arith.constant 0 : i32
    %c0_i32_0 = arith.constant 0 : i32
    return %c1_i32, %arg0, %c0_i32 : i32, i32, i32
  }
  func.func @transform_3(%arg0: i32) -> (i32, i32) {
    %c0_i32 = arith.constant 0 : i32
    %c0_i32_0 = arith.constant 0 : i32
    %c0_i32_1 = arith.constant 0 : i32
    return %c0_i32, %c0_i32_0 : i32, i32
  }
  func.func @transform_4(%arg0: i32) -> (i32, i32) {
    %c0_i32 = arith.constant 0 : i32
    %c0_i32_0 = arith.constant 0 : i32
    %c0_i32_1 = arith.constant 0 : i32
    return %c0_i32, %c0_i32_0 : i32, i32
  }
  func.func @transform_5(%arg0: i32) -> (i32, i32) {
    %c0_i32 = arith.constant 0 : i32
    %c0_i32_0 = arith.constant 0 : i32
    %c0_i32_1 = arith.constant 0 : i32
    return %c0_i32, %c0_i32_0 : i32, i32
  }
  func.func @transform_6(%arg0: i32) -> (i32, i32) {
    %c0_i32 = arith.constant 0 : i32
    %c0_i32_0 = arith.constant 0 : i32
    %c0_i32_1 = arith.constant 0 : i32
    return %c0_i32, %c0_i32_0 : i32, i32
  }
  func.func @transform_7(%arg0: i32) -> (i32, i32) {
    %c0_i32 = arith.constant 0 : i32
    %c0_i32_0 = arith.constant 0 : i32
    return %arg0, %c0_i32 : i32, i32
  }
}

</mosaic_0001>

<sc_bundles>
// kernel: kernel.6.cloned.1.call-start
scs
__scs_entry_jumppad:
0x0: {  	(pc) =	sbr.rel $0x88, $3  }
0x1: {  	(tag) =	ssettag $0x0;
	lr =	simm.s32 $0x1  }
0x2: {  	[smem:$0x3F97] =	sst lr;
	_ =	strace $0xD0000000  }
0x3: {  	_ = 	snop  }
0x4: {  	_ = 	snop  }
0x5: {  	_ = 	snop  }
0x6: {  	_ = 	snop  }
0x7: {  	_ = 	snop  }
__scs_overlays_trampoline_lowered:
0x8: {  	[smem:$0x3FA6] =	sst s0  }
0x9: {  	[smem:$0x3FA7] =	sst s1  }
0xa: {  	[smem:$0x3FA8] =	sst s2  }
0xb: {  	[smem:$0x3FA9] =	sst s3  }
0xc: {  	[smem:$0x3FAA] =	sst s4  }
0xd: {  	[smem:$0x3FAB] =	sst s5  }
0xe: {  	[smem:$0x3FAC] =	sst s6  }
0xf: {  	[smem:$0x3FAD] =	sst s7  }
0x10: {  	[smem:$0x3FAE] =	sst s8  }
0x11: {  	[smem:$0x3FAF] =	sst s9;
	s0 =	simm.s32 @!p0 $0x0  }
0x12: {  	s1 =	sld [smem:$0x3F95];
	s0 =	simm.s32 @p0 $0x1  }
0x13: {  	[smem:$0x3FB0] =	sst s0;
	s0 =	simm.s32 @!p1 $0x0  }
0x14: {  	s2 =	sld [smem:$0x3F94];
	s0 =	simm.s32 @p1 $0x1  }
0x15: {  	[smem:$0x3FB1] =	sst s0;
	s0 =	simm.s32 @!p2 $0x0  }
0x16: {  	s3 =	sld [smem:$0x3FDB];
	s0 =	simm.s32 @p2 $0x1  }
0x17: {  	s4 =	simm.s32 $0x1BF5;
	[smem:$0x3FB3] =	sst s0  }
0x18: {  	s0 =	sld [smem:$0x3F96];
	_ =	swait.ge [sflag:s4], $0x0  }
0x19: {  	s7 =	sld [smem:$0x3F97]  }
0x1a: {  	s8 =	sadd.s32 $0xFFFFE003, lr  }
0x1b: {  	s9 =	sadd.s32 $0xFFFFFEF7, lr;
	s5 =	simm.s32 $0xFFFFFFFF;
	p2 =	slt.u32 s8, $0xFFFFF086  }
0x1c: {  	p1 =	slt.u32 s9, $0xF7A;
	s5 =	simm.s32 @!p2 $0x0  }
0x1d: {  	s5 =	simm.s32 @p1 $0x1;
	p0 =	seq.s32 s7, s2  }
0x1e: {  	s7 =	smul.u32 @!p0 $0xF7A, s2;
	p2 =	seq.s32 @!p0 s5, $0x0  }
0x1f: {  	s9 =	smul.u32 $0xF7A, s1;
	s8 =	simm.s32 @!p0 $0x1BF5;
	p2 =	por !p2, p0  }
0x20: {  	[sflag:s8] =	ssyncset.s32 @!p0 $0xFFFFF086;
	s6 =	sadd.s32 @!p0 s3, s7;
	s7 =	simm.s32 @!p0 $0x108  }
0x21: {  	s3 =	sadd.s32 s3, s9;
	s6 =	sadd.s32 @!p0 $0x88, s6;
	s7 =	simm.s32 @p2 $0x1082  }
0x22: {  	[simem:s7], [sflag:s8] =	dma.local @!p0 [hbm:s6], $0xF7A  }
0x23: {  	s9 =	sor.u32 $0xD0000000, s2;
	s6 =	simm.s32 $0x108;
	_ =	swait.ge @!p0 [sflag:s8], $0x0  }
0x24: {  	s3 =	sadd.s32 $0x88, s3;
	s6 =	simm.s32 @!p1 $0x1082;
	[sflag:s4] =	ssyncset.s32 $0xFFFFF086  }
0x25: {  	[simem:s6], [sflag:s4] =	dma.local [hbm:s3], $0xF7A  }
0x26: {  	[smem:$0x3F97] =	sst s1;
	(tag) =	ssettag s2;
	_ =	strace s9  }
0x27: {  	s1 =	sld [smem:$0x3FA7]  }
0x28: {  	s2 =	sld [smem:$0x3FA8]  }
0x29: {  	s4 =	sld [smem:$0x3FAA]  }
0x2a: {  	p0 =	seq.s32 s5, $0x0;
	s5 =	sld [smem:$0x3FAB]  }
0x2b: {  	s6 =	sld [smem:$0x3FAC]  }
0x2c: {  	s7 =	sld [smem:$0x3FAD]  }
0x2d: {  	s3 =	simm.s32 $0x108;
	s8 =	sld [smem:$0x3FAE]  }
0x2e: {  	s3 =	simm.s32 @!p0 $0x1082;
	s9 =	sld [smem:$0x3FAF]  }
0x2f: {  	lr =	sadd.s32 s0, s3;
	s0 =	sld [smem:$0x3FA6]  }
0x30: {  	s3 =	sld [smem:$0x3FA9]  }
0x31: {  	[smem:$0x3FB2] =	sst s10  }
0x32: {  	s10 =	sld [smem:$0x3FB0];
	_ =	sdelay $0x3  }
0x33: {  	p0 =	seq.s32 s10, $0x1;
	s10 =	sld [smem:$0x3FB2];
	_ =	sdelay $0x3  }
0x34: {  	[smem:$0x3FB2] =	sst s10  }
0x35: {  	s10 =	sld [smem:$0x3FB1];
	_ =	sdelay $0x3  }
0x36: {  	p1 =	seq.s32 s10, $0x1;
	s10 =	sld [smem:$0x3FB2];
	_ =	sdelay $0x3  }
0x37: {  	[smem:$0x3FB2] =	sst s10  }
0x38: {  	s10 =	sld [smem:$0x3FB3]  }
0x39: {  	_ = 	snop;
	(pc) =	sbr.ind lr, $3  }
0x3a: {  	_ = 	snop  }
0x3b: {  	_ = 	snop  }
0x3c: {  	p2 =	seq.s32 s10, $0x1;
	s10 =	sld [smem:$0x3FB2]  }
0x3d: {  	_ =	shalt  }
0x3e: {  	_ =	shalt  }
0x3f: {  	_ =	shalt  }
0x40: {  	_ =	shalt  }
0x41: {  	_ =	shalt  }
0x42: {  	_ =	shalt  }
0x43: {  	_ =	shalt  }
0x44: {  	_ =	shalt  }
0x45: {  	_ =	shalt  }
0x46: {  	_ =	shalt  }
0x47: {  	_ =	shalt  }
0x48: {  	_ =	shalt  }
0x49: {  	_ =	shalt  }
0x4a: {  	_ =	shalt  }
0x4b: {  	_ =	shalt  }
0x4c: {  	_ =	shalt  }
0x4d: {  	_ =	shalt  }
0x4e: {  	_ =	shalt  }
0x4f: {  	_ =	shalt  }
0x50: {  	_ =	shalt  }
0x51: {  	_ =	shalt  }
0x52: {  	_ =	shalt  }
0x53: {  	_ =	shalt  }
0x54: {  	_ =	shalt  }
0x55: {  	_ =	shalt  }
0x56: {  	_ =	shalt  }
0x57: {  	_ =	shalt  }
0x58: {  	_ =	shalt  }
0x59: {  	_ =	shalt  }
0x5a: {  	_ =	shalt  }
0x5b: {  	_ =	shalt  }
0x5c: {  	_ =	shalt  }
0x5d: {  	_ =	shalt  }
0x5e: {  	_ =	shalt  }
0x5f: {  	_ =	shalt  }
0x60: {  	_ =	shalt  }
0x61: {  	_ =	shalt  }
0x62: {  	_ =	shalt  }
0x63: {  	_ =	shalt  }
0x64: {  	_ =	shalt  }
0x65: {  	_ =	shalt  }
0x66: {  	_ =	shalt  }
0x67: {  	_ =	shalt  }
0x68: {  	_ =	shalt  }
0x69: {  	_ =	shalt  }
0x6a: {  	_ =	shalt  }
0x6b: {  	_ =	shalt  }
0x6c: {  	_ =	shalt  }
0x6d: {  	_ =	shalt  }
0x6e: {  	_ =	shalt  }
0x6f: {  	_ =	shalt  }
0x70: {  	_ =	shalt  }
0x71: {  	_ =	shalt  }
0x72: {  	_ =	shalt  }
0x73: {  	_ =	shalt  }
0x74: {  	_ =	shalt  }
0x75: {  	_ =	shalt  }
0x76: {  	_ =	shalt  }
0x77: {  	_ =	shalt  }
0x78: {  	_ =	shalt  }
0x79: {  	_ =	shalt  }
0x7a: {  	_ =	shalt  }
0x7b: {  	_ =	shalt  }
0x7c: {  	_ =	shalt  }
0x7d: {  	_ =	shalt  }
0x7e: {  	_ =	shalt  }
0x7f: {  	_ =	shalt  }
0x80: {  	_ =	shalt  }
0x81: {  	_ =	shalt  }
0x82: {  	_ =	shalt  }
0x83: {  	_ =	shalt  }
0x84: {  	_ =	shalt  }
0x85: {  	_ =	shalt  }
0x86: {  	_ =	shalt  }
0x87: {  	_ =	shalt  }
.Lfunc_end0:
.L_simem_size_0:
called_computation_lowered:
.L_overlay_start_0:
0x88: {  	s2 =	sld [smem:$0x3FD9]  }
0x89: {  	s3 =	sld [smem:$0x3FFE];
	_ =	sdelay $0x1  }
0x8a: {  	s1 =	srdreg.scid  }
0x8b: {  	s0 =	sand.u32 $0x1, s1  }
0x8c: {  	s17 =	sshll.u32 s0, $0xA;
	s2 =	sadd.s32 s3, s2  }
0x8d: {  	s2 =	sadd.s32 s2, s17  }
0x8e: {  	[smem:$0x3FBE] =	sst s2  }
0x8f: {  	_ = 	snop  }
0x90: {  	s2 =	sld [smem:$0x3FC9]  }
0x91: {  	s18 =	sld [smem:$0x3FD0];
	(tm) =	ssettm $0x1  }
0x92: {  	s4 =	sld [smem:$0x3FFB];
	_ =	sdelay $0x3  }
0x93: {  	_ =	strace s4  }
0x94: {  	s4 =	sld [smem:$0x3FFC];
	_ =	sdelay $0x3  }
0x95: {  	_ =	strace s4  }
0x96: {  	s4 =	sld [smem:$0x3FFD];
	_ =	sdelay $0x3  }
0x97: {  	_ =	strace s4  }
0x98: {  	_ =	strace $0x8FFFFFFF  }
0x99: {  	s19 =	sld [smem:$0x3FDB];
	_ =	sdelay $0x1  }
0x9a: {  	s5 =	simm.s32 $_scs_section_size  }
0x9b: {  	s6 =	simm.s32 $_size__tile_overlayer_lowered;
	s7 =	simm.s32 $_tile_overlayer_lowered  }
0x9c: {  	s22 =	simm.s32 $0x1BFF;
	s21 =	sshll.u32 s7, $0x1;
	s4 =	sadd.s32 s5, s19  }
0x9d: {  	s8 =	simm.s32 $0x0;
	s20 =	sshll.u32 s6, $0x1;
	s6 =	sadd.s32 s21, s4  }
0x9e: {  	[timem:s8], [sflag:s22] =	dma.local [hbm:s6], s20  }
0x9f: {  	_ =	swait.ge [sflag:s22], s20  }
0xa0: {  	s5 =	ssub.s32 $0x0, s20;
	[sflag:s22] =	ssyncset.done $0x0  }
0xa1: {  	[sflag:s22] =	ssyncadd.s32 s5;
	_ =	sdelay $0x1  }
0xa2: {  	s23 =	simm.s32 $0x1B8B  }
0xa3: {  	_ =	swait.ge [sflag:s23], $0x1  }
0xa4: {  	[sflag:s23] =	ssyncset.done $0x0  }
0xa5: {  	s25 =	simm.s32 $0x1B8E;
	s24 =	sld [smem:$0x3FFE];
	[sflag:s23] =	ssyncadd.s32 $0xFFFFFFFF  }
0xa6: {  	s26 =	simm.s32 $execute0_lowered;
	[smem:$0x3FD2] =	sst s25  }
0xa7: {  	s6 =	sshll.u32 s26, $0x1;
	_ =	strace $0x80000046;
	[dreg:$0x1] =	wrdreg $0xFFFFFFFF  }
0xa8: {  	s28 =	simm.s32 $_size_execute0_lowered;
	s4 =	sadd.s32 s4, s6;
	[dreg:$0x0] =	wrdreg $0x0  }
0xa9: {  	s6 =	sshll.u32 s28, $0x1;
	[dreg:$0x2] =	wrdreg s4  }
0xaa: {  	[dreg:$0x3] =	wrdreg s6  }
0xab: {  	[dreg:$0x4] =	wrdreg $0xC0  }
0xac: {  	_ =	task [dreg:s8], $0x5FFFF  }
0xad: {  	[dreg:$0x1] =	wrdreg $0xFFFFFFFF  }
0xae: {  	[dreg:$0x0] =	wrdreg $0x60  }
0xaf: {  	[dreg:$0x2] =	wrdreg s2  }
0xb0: {  	[dreg:$0x3] =	wrdreg s24  }
0xb1: {  	[dreg:$0x4] =	wrdreg s18  }
0xb2: {  	[dreg:$0x5] =	wrdreg $0xB7800  }
0xb3: {  	[dreg:$0x6] =	wrdreg $0x9  }
0xb4: {  	_ =	task.clear_ibuf [dreg:s8], $0x7FFFF;
	_ =	strace $0x90000046  }
0xb5: {  	s29 =	simm.s32 $0x9;
	_ =	strace $0x80000048  }
0xb6: {  	_ =	swait.ge [sflag:s29], $0x1  }
0xb7: {  	[sflag:s29] =	ssyncadd.s32 $0xFFFFFFFF  }
0xb8: {  	_ =	strace $0x90000048  }
0xb9: {  	_ =	sfence  }
0xba: {  	s30 =	sld [smem:$0x0];
	_ =	sdelay $0x2  }
0xbb: {  	s31 =	sshll.u32 s1, $0xD;
	s1 =	sshrl.u32 s1, $0x2  }
0xbc: {  	s3 =	sand.u32 $0x4000, s31;
	s1 =	sadd.s32 s1, s30  }
0xbd: {  	s0 =	sor.u32 s3, s0;
	s1 =	sshll.u32 s1, $0x11  }
0xbe: {  	s0 =	sor.u32 s1, s0  }
0xbf: {  	s0 =	sadd.s32 $0x8F2B, s0  }
0xc0: {  	[sflag:s0] =	ssyncadd.remote.s32 $0x1  }
0xc1: {  	_ =	sfence.sel $0xFFFF  }
0xc2: {  	[dreg:$0x0] =	wrdreg $0xFFFFFFFF;
	(pc) =	sbr.abs _section_cstart, $3  }
0xc3: {  	[dreg:$0x1] =	wrdreg $0xFFFFFFFF  }
0xc4: {  	_ =	task.clear_ibuf [dreg:s8], $0x2FFFF;
	_ =	strace $0x9FFFFFFF  }
0xc5: {  	(tm) =	ssettm $0x7FFFFFFF  }
tec
execute0_lowered:
.L_overlay_start_1:
0x0: {  	(tag) =	ssettag $0x1  }
0x1: {  	s0 =	rddreg [dreg:$0x0]  }
0x2: {  	s6 =	rddreg [dreg:$0x1]  }
0x3: {  	s8 =	rddreg [dreg:$0x2]  }
0x4: {  	s1 =	srdreg.scid;
	s2 =	rddreg [dreg:$0x3]  }
0x5: {  	s12 =	stileid.u32;
	s3 =	simm.s32 $0x0;
	s18 =	simm.s32 $0x8F80  }
0x6: {  	s19 =	simm.s32 $0x1;
	s20 =	simm.s32 $0x2;
	s21 =	simm.s32 $0x6580  }
0x7: {  	s7 =	sand.u32 $0x1, s1;
	s1 =	rddreg [dreg:$0x4];
	s10 =	smul.u32 $0x13800, s12  }
0x8: {  	s22 =	simm.s32 $0x0;
	[smem:$0x7FF] =	sst s3;
	s11 =	smul.u32 $0x4E000, s12  }
0x9: {  	s14 =	sadd.s32 $0x33000, s6;
	s28 =	sshll.u32 s12, $0x6;
	s17 =	sadd.s32 $0x138000, s2  }
0xa: {  	p0 =	sne.s32 s12, $0x0;
	s4 =	sshll.u32 s7, $0x4;
	_ =	strace $0x80000047  }
0xb: {  	s26 =	ssub.s32 $0x2, s7;
	s29 =	smul.u32 $0x138800, s7;
	s9 =	sor.u32 s12, s4  }
0xc: {  	s5 =	sshrl.u32 s10, $0x3;
	s15 =	sshrl.u32 s26, $0x1;
	s11 =	sshrl.u32 s11, $0x2  }
0xd: {  	s4 =	smul.u32 $0x4E2, s9;
	s25 =	sadd.s32 s5, s6;
	s15 =	ssub.s32 s26, s15  }
0xe: {  	s16 =	sadd.s32 s11, s2;
	s5 =	sor.u32 $0x1C03, s28;
	s9 =	sshll.u32 s9, $0xB  }
0xf: {  	s10 =	sadd.s32 s10, s29;
	s11 =	sshrl.u32 s29, $0x3;
	s8 =	sadd.s32 s8, s9  }
0x10: {  	s30 =	sshrl.u32 s10, $0x3;
	s31 =	sadd.s32 s14, s11;
	s11 =	smax.u32 s15, $0x1  }
0x11: {  	s12 =	sshrl.u32 s16, $0x3;
	s15 =	simm.s32 $0x2780;
	s16 =	simm.s32 $0x50  }
0x12: {  	s13 =	sadd.s32 s4, s6;
	s4 =	sadd.s32 $0xBE00, s25;
	s6 =	sadd.s32 $0x32E00, s6  }
0x13: {  	s9 =	sadd.s32 s14, s30;
	s10 =	sadd.s32 $0x27000, s31;
	s14 =	sshrl.u32 @!p0 s17, $0x3  }
0x14: {  	s17 =	simm.s32 $0x6780;
	s7 =	sadd.s32 $0x2000, s13;
	s13 =	simm.s32 $0x3  }
.LBB2_1:
0x15: {  	[spmem:s12], [sflag:s5] =	dma.local [hbm:s4], $0x2700  }
0x16: {  	_ =	swait.ge [sflag:s13], $0x2700  }
0x17: {  	[sflag:s13] =	ssyncset.done $0x0  }
0x18: {  	s23 =	simm.s32 @!p0 $0x3;
	[sflag:s13] =	ssyncadd.s32 $0xFFFFD900  }
0x19: {  	[spmem:s14], [sflag:s5] =	dma.local @!p0 [hbm:s6], $0x100  }
0x1a: {  	_ =	swait.ge @!p0 [sflag:s23], $0x100  }
0x1b: {  	[sflag:s23] =	ssyncset.done @!p0 $0x0  }
0x1c: {  	[sflag:s23] =	ssyncadd.s32 @!p0 $0xFFFFFF00  }
0x1d: {  	[tilespmem:s3], [sflag:$0x3] =	stream.linear.gather [hbm4b:s7+s3], $0x2710, $0x38;
	[tilespmem:$0x1F000] =	vst v63  }
0x1e: {  	_ =	swait.ge [sflag:s13], $0x2710  }
0x1f: {  	[sflag:s13] =	ssyncset.done $0x0  }
0x20: {  	[sflag:s13] =	ssyncadd.s32 $0xFFFFD8F0  }
0x21: {  	[tilespmem:s15], [sflag:$0x3] =	stream.linear.gather [hbm4b:s8+s3], $0x3E80, $0x38;
	[tilespmem:$0x1F000] =	vst v63  }
0x22: {  	_ =	swait.ge [sflag:s13], $0x3E80  }
0x23: {  	[sflag:s13] =	ssyncset.done $0x0  }
0x24: {  	[sflag:s13] =	ssyncadd.s32 $0xFFFFC180  }
0x25: {  	[bflag:$0x0] =	sbarrier.arrive $0xFFFF  }
0x26: {  	[tilespmem:s17], [sflag:$0x1] =	stream.indirect.gather [hbm4b:s0+s16], $0x80, s3, s16, $0xb8;
	[tilespmem:$0x1F000] =	vst v63  }
0x27: {  	s28 =	simm.s32 $0x50  }
0x28: {  	[tilespmem:s18], [sflag:$0x2] =	stream.indirect.gather [hbm4b:s0+s16], $0x80, s28, s16, $0xb8;
	[tilespmem:$0x1F000] =	vst v63  }
0x29: {  	_ =	swait.ge [sflag:s19], $0x2800  }
0x2a: {  	[sflag:s19] =	ssyncset.done $0x0  }
0x2b: {  	s29 =	simm.s32 $0x2780;
	[sflag:s19] =	ssyncadd.s32 $0xFFFFD800  }
0x2c: {  	[spmem:s2] =	stream.indirect.scatter.add.f32 [tilespmem:s17], [sflag:$0x3], $0x80, s29, s16, $0xb8;
	[tilespmem:$0x1F000] =	vst v63  }
0x2d: {  	_ =	swait.ge [sflag:s13], $0x2800  }
0x2e: {  	[sflag:s13] =	ssyncset.done $0x0  }
0x2f: {  	s30 =	simm.s32 $0xA0;
	[sflag:s13] =	ssyncadd.s32 $0xFFFFD800  }
0x30: {  	[tilespmem:s17], [sflag:$0x1] =	stream.indirect.gather [hbm4b:s0+s16], $0x80, s30, s16, $0xb8;
	[tilespmem:$0x1F000] =	vst v63  }
0x31: {  	_ =	swait.ge [sflag:s20], $0x2800  }
0x32: {  	[sflag:s20] =	ssyncset.done $0x0  }
0x33: {  	s31 =	simm.s32 $0x2800;
	[sflag:s20] =	ssyncadd.s32 $0xFFFFD800  }
0x34: {  	[spmem:s2] =	stream.indirect.scatter.add.f32 [tilespmem:s18], [sflag:$0x3], $0x80, s31, s16, $0xb8;
	[tilespmem:$0x1F000] =	vst v63  }
0x35: {  	s24 =	simm.s32 $0x400;
	_ =	swait.ge [sflag:s13], $0x2800  }
0x36: {  	s25 =	simm.s32 $0x800;
	s23 =	simm.s32 $0x140;
	[sflag:s13] =	ssyncset.done $0x0  }
.LBB2_2:
0x37: {  	p1 =	sne.s32 s25, $0xF400;
	s26 =	sadd.s32 $0xFFFFFFB0, s23;
	[sflag:s13] =	ssyncadd.s32 $0xFFFFD800  }
0x38: {  	[tilespmem:s18], [sflag:$0x2] =	stream.indirect.gather [hbm4b:s0+s16], $0x80, s26, s16, $0xb8;
	[tilespmem:$0x1F000] =	vst v63  }
0x39: {  	s26 =	smov.u32 s25;
	s25 =	sadd.s32 $0x400, s25;
	_ =	swait.ge [sflag:s19], $0x2800  }
0x3a: {  	s28 =	sshra.s32 s24, $0x2;
	s24 =	smov.u32 s26;
	[sflag:s19] =	ssyncset.done $0x0  }
0x3b: {  	s26 =	sadd.s32 $0x2780, s28;
	[sflag:s19] =	ssyncadd.s32 $0xFFFFD800  }
0x3c: {  	[spmem:s2] =	stream.indirect.scatter.add.f32 [tilespmem:s17], [sflag:$0x3], $0x80, s26, s16, $0xb8;
	[tilespmem:$0x1F000] =	vst v63  }
0x3d: {  	_ =	swait.ge [sflag:s13], $0x2800  }
0x3e: {  	[sflag:s13] =	ssyncset.done $0x0  }
0x3f: {  	[sflag:s13] =	ssyncadd.s32 $0xFFFFD800  }
0x40: {  	[tilespmem:s17], [sflag:$0x1] =	stream.indirect.gather [hbm4b:s0+s16], $0x80, s23, s16, $0xb8;
	[tilespmem:$0x1F000] =	vst v63  }
0x41: {  	_ =	swait.ge [sflag:s20], $0x2800  }
.Ltmp0:
0x42: {  	[sflag:s20] =	ssyncset.done $0x0;
	(pc) =	sbr.rel @p1 .LBB2_2-.Ltmp0, $4  }
0x43: {  	s26 =	sadd.s32 $0x2800, s28;
	[sflag:s20] =	ssyncadd.s32 $0xFFFFD800  }
0x44: {  	[spmem:s2] =	stream.indirect.scatter.add.f32 [tilespmem:s18], [sflag:$0x3], $0x80, s26, s16, $0xb8;
	[tilespmem:$0x1F000] =	vst v63  }
0x45: {  	_ =	swait.ge [sflag:s13], $0x2800  }
0x46: {  	s23 =	sadd.s32 $0xA0, s23;
	[sflag:s13] =	ssyncset.done $0x0  }
0x47: {  	s25 =	sadd.s32 $0xFFFFFFB0, s23;
	[sflag:s13] =	ssyncadd.s32 $0xFFFFD800  }
0x48: {  	[tilespmem:s18], [sflag:$0x2] =	stream.indirect.gather [hbm4b:s0+s16], $0x80, s25, s16, $0xb8;
	[tilespmem:$0x1F000] =	vst v63  }
0x49: {  	_ =	swait.ge [sflag:s19], $0x2800  }
0x4a: {  	s24 =	sshra.s32 s24, $0x2;
	[sflag:s19] =	ssyncset.done $0x0  }
0x4b: {  	s30 =	sadd.s32 $0x2780, s24;
	[sflag:s19] =	ssyncadd.s32 $0xFFFFD800  }
0x4c: {  	[spmem:s2] =	stream.indirect.scatter.add.f32 [tilespmem:s17], [sflag:$0x3], $0x80, s30, s16, $0xb8;
	[tilespmem:$0x1F000] =	vst v63  }
0x4d: {  	_ =	swait.ge [sflag:s13], $0x2800  }
0x4e: {  	[sflag:s13] =	ssyncset.done $0x0  }
0x4f: {  	[sflag:s13] =	ssyncadd.s32 $0xFFFFD800  }
0x50: {  	[tilespmem:s17], [sflag:$0x1] =	stream.indirect.gather [hbm4b:s0+s16], $0x80, s23, s16, $0xb8;
	[tilespmem:$0x1F000] =	vst v63  }
0x51: {  	_ =	swait.ge [sflag:s20], $0x2800  }
0x52: {  	[sflag:s20] =	ssyncset.done $0x0  }
0x53: {  	s31 =	sadd.s32 $0x2800, s24;
	[sflag:s20] =	ssyncadd.s32 $0xFFFFD800  }
0x54: {  	[spmem:s2] =	stream.indirect.scatter.add.f32 [tilespmem:s18], [sflag:$0x3], $0x80, s31, s16, $0xb8;
	[tilespmem:$0x1F000] =	vst v63  }
0x55: {  	_ =	swait.ge [sflag:s13], $0x2800  }
0x56: {  	[sflag:s13] =	ssyncset.done $0x0  }
0x57: {  	[sflag:s13] =	ssyncadd.s32 $0xFFFFD800  }
0x58: {  	_ =	swait.ge [sflag:s19], $0x2800  }
0x59: {  	[sflag:s19] =	ssyncset.done $0x0  }
0x5a: {  	[sflag:s19] =	ssyncadd.s32 $0xFFFFD800  }
0x5b: {  	[spmem:s2] =	stream.indirect.scatter.add.f32 [tilespmem:s17], [sflag:$0x3], $0x80, s21, s16, $0xb8;
	[tilespmem:$0x1F000] =	vst v63  }
0x5c: {  	_ =	swait.ge [sflag:s13], $0x2800  }
0x5d: {  	[sflag:s13] =	ssyncset.done $0x0  }
0x5e: {  	[sflag:s13] =	ssyncadd.s32 $0xFFFFD800  }
0x5f: {  	[bflag:$0x0] =	sbarrier.arrive $0xFFFF  }
0x60: {  	[hbm:s9], [sflag:s5] =	dma.local [spmem:s12], $0x2700  }
0x61: {  	s22 =	sadd.s32 $0x1, s22;
	_ =	swait.ge [sflag:s13], $0x2700  }
0x62: {  	p1 =	sne.s32 s22, s11;
	[sflag:s13] =	ssyncset.done $0x0  }
.Ltmp1:
0x63: {  	s23 =	simm.s32 @!p0 $0x3;
	[sflag:s13] =	ssyncadd.s32 $0xFFFFD900;
	(pc) =	sbr.rel @p1 .LBB2_1-.Ltmp1, $4  }
0x64: {  	[hbm:s10], [sflag:s5] =	dma.local @!p0 [spmem:s14], $0x100  }
0x65: {  	_ =	swait.ge @!p0 [sflag:s23], $0x100  }
0x66: {  	[sflag:s23] =	ssyncset.done @!p0 $0x0  }
0x67: {  	[sflag:s23] =	ssyncadd.s32 @!p0 $0xFFFFFF00  }
0x68: {  	_ =	sfence.sel $0x180000  }
0x69: {  	[bflag:$0x0] =	sbarrier.arrive $0xFFFF  }
0x6a: {  	_ =	strace $0x90000047  }
0x6b: {  	s0 =	sadd.s32 @!p0 $0x100000, s1;
	[bflag:$0x2] =	sbarrier.arrive $0xFFFF  }
0x6c: {  	[sflag:s0] =	ssyncadd.tile.s32 @!p0 $0x1;
	_ =	shalt  }
.Lfunc_end2:
_tile_overlayer_lowered:
.L_overlay_start_2:
0x6d: {  	(tag) =	ssettag $0x2  }
0x6e: {  	s0 =	rddreg [dreg:$0x0];
	s2 =	stileid.u32  }
0x6f: {  	s1 =	rddreg [dreg:$0x1];
	p0 =	sne.s32 s2, $0x0  }
0x70: {  	s3 =	rddreg [dreg:$0x2];
	[bflag:$0x3] =	sbarrier.arrive $0xFFFF;
	s2 =	simm.s32 @!p0 $0x1C03  }
0x71: {  	[timem:s3], [sflag:s2] =	dma.local @!p0 [hbm:s0], s1  }
0x72: {  	s0 =	simm.s32 @!p0 $0x3  }
0x73: {  	_ =	swait.ge @!p0 [sflag:s0], s1  }
0x74: {  	s1 =	ssub.s32 @!p0 $0x0, s1;
	[sflag:s0] =	ssyncset.done @!p0 $0x0  }
0x75: {  	[sflag:s0] =	ssyncadd.s32 @!p0 s1  }
0x76: {  	[bflag:$0x3] =	sbarrier.arrive $0xFFFF  }
0x77: {  	_ =	shalt  }

// kernel: kernel.9.cloned.1.call-start
scs
__scs_entry_jumppad:
0x0: {  	(pc) =	sbr.rel $0x88, $3  }
0x1: {  	(tag) =	ssettag $0x0;
	lr =	simm.s32 $0x1  }
0x2: {  	[smem:$0x3F97] =	sst lr;
	_ =	strace $0xD0000000  }
0x3: {  	_ = 	snop  }
0x4: {  	_ = 	snop  }
0x5: {  	_ = 	snop  }
0x6: {  	_ = 	snop  }
0x7: {  	_ = 	snop  }
__scs_overlays_trampoline_lowered:
0x8: {  	[smem:$0x3FA6] =	sst s0  }
0x9: {  	[smem:$0x3FA7] =	sst s1  }
0xa: {  	[smem:$0x3FA8] =	sst s2  }
0xb: {  	[smem:$0x3FA9] =	sst s3  }
0xc: {  	[smem:$0x3FAA] =	sst s4  }
0xd: {  	[smem:$0x3FAB] =	sst s5  }
0xe: {  	[smem:$0x3FAC] =	sst s6  }
0xf: {  	[smem:$0x3FAD] =	sst s7  }
0x10: {  	[smem:$0x3FAE] =	sst s8  }
0x11: {  	[smem:$0x3FAF] =	sst s9;
	s0 =	simm.s32 @!p0 $0x0  }
0x12: {  	s1 =	sld [smem:$0x3F95];
	s0 =	simm.s32 @p0 $0x1  }
0x13: {  	[smem:$0x3FB0] =	sst s0;
	s0 =	simm.s32 @!p1 $0x0  }
0x14: {  	s2 =	sld [smem:$0x3F94];
	s0 =	simm.s32 @p1 $0x1  }
0x15: {  	[smem:$0x3FB1] =	sst s0;
	s0 =	simm.s32 @!p2 $0x0  }
0x16: {  	s3 =	sld [smem:$0x3FDB];
	s0 =	simm.s32 @p2 $0x1  }
0x17: {  	s4 =	simm.s32 $0x1BF5;
	[smem:$0x3FB3] =	sst s0  }
0x18: {  	s0 =	sld [smem:$0x3F96];
	_ =	swait.ge [sflag:s4], $0x0  }
0x19: {  	s7 =	sld [smem:$0x3F97]  }
0x1a: {  	s8 =	sadd.s32 $0xFFFFE003, lr  }
0x1b: {  	s9 =	sadd.s32 $0xFFFFFEF7, lr;
	s5 =	simm.s32 $0xFFFFFFFF;
	p2 =	slt.u32 s8, $0xFFFFF086  }
0x1c: {  	p1 =	slt.u32 s9, $0xF7A;
	s5 =	simm.s32 @!p2 $0x0  }
0x1d: {  	s5 =	simm.s32 @p1 $0x1;
	p0 =	seq.s32 s7, s2  }
0x1e: {  	s7 =	smul.u32 @!p0 $0xF7A, s2;
	p2 =	seq.s32 @!p0 s5, $0x0  }
0x1f: {  	s9 =	smul.u32 $0xF7A, s1;
	s8 =	simm.s32 @!p0 $0x1BF5;
	p2 =	por !p2, p0  }
0x20: {  	[sflag:s8] =	ssyncset.s32 @!p0 $0xFFFFF086;
	s6 =	sadd.s32 @!p0 s3, s7;
	s7 =	simm.s32 @!p0 $0x108  }
0x21: {  	s3 =	sadd.s32 s3, s9;
	s6 =	sadd.s32 @!p0 $0x88, s6;
	s7 =	simm.s32 @p2 $0x1082  }
0x22: {  	[simem:s7], [sflag:s8] =	dma.local @!p0 [hbm:s6], $0xF7A  }
0x23: {  	s9 =	sor.u32 $0xD0000000, s2;
	s6 =	simm.s32 $0x108;
	_ =	swait.ge @!p0 [sflag:s8], $0x0  }
0x24: {  	s3 =	sadd.s32 $0x88, s3;
	s6 =	simm.s32 @!p1 $0x1082;
	[sflag:s4] =	ssyncset.s32 $0xFFFFF086  }
0x25: {  	[simem:s6], [sflag:s4] =	dma.local [hbm:s3], $0xF7A  }
0x26: {  	[smem:$0x3F97] =	sst s1;
	(tag) =	ssettag s2;
	_ =	strace s9  }
0x27: {  	s1 =	sld [smem:$0x3FA7]  }
0x28: {  	s2 =	sld [smem:$0x3FA8]  }
0x29: {  	s4 =	sld [smem:$0x3FAA]  }
0x2a: {  	p0 =	seq.s32 s5, $0x0;
	s5 =	sld [smem:$0x3FAB]  }
0x2b: {  	s6 =	sld [smem:$0x3FAC]  }
0x2c: {  	s7 =	sld [smem:$0x3FAD]  }
0x2d: {  	s3 =	simm.s32 $0x108;
	s8 =	sld [smem:$0x3FAE]  }
0x2e: {  	s3 =	simm.s32 @!p0 $0x1082;
	s9 =	sld [smem:$0x3FAF]  }
0x2f: {  	lr =	sadd.s32 s0, s3;
	s0 =	sld [smem:$0x3FA6]  }
0x30: {  	s3 =	sld [smem:$0x3FA9]  }
0x31: {  	[smem:$0x3FB2] =	sst s10  }
0x32: {  	s10 =	sld [smem:$0x3FB0];
	_ =	sdelay $0x3  }
0x33: {  	p0 =	seq.s32 s10, $0x1;
	s10 =	sld [smem:$0x3FB2];
	_ =	sdelay $0x3  }
0x34: {  	[smem:$0x3FB2] =	sst s10  }
0x35: {  	s10 =	sld [smem:$0x3FB1];
	_ =	sdelay $0x3  }
0x36: {  	p1 =	seq.s32 s10, $0x1;
	s10 =	sld [smem:$0x3FB2];
	_ =	sdelay $0x3  }
0x37: {  	[smem:$0x3FB2] =	sst s10  }
0x38: {  	s10 =	sld [smem:$0x3FB3]  }
0x39: {  	_ = 	snop;
	(pc) =	sbr.ind lr, $3  }
0x3a: {  	_ = 	snop  }
0x3b: {  	_ = 	snop  }
0x3c: {  	p2 =	seq.s32 s10, $0x1;
	s10 =	sld [smem:$0x3FB2]  }
0x3d: {  	_ =	shalt  }
0x3e: {  	_ =	shalt  }
0x3f: {  	_ =	shalt  }
0x40: {  	_ =	shalt  }
0x41: {  	_ =	shalt  }
0x42: {  	_ =	shalt  }
0x43: {  	_ =	shalt  }
0x44: {  	_ =	shalt  }
0x45: {  	_ =	shalt  }
0x46: {  	_ =	shalt  }
0x47: {  	_ =	shalt  }
0x48: {  	_ =	shalt  }
0x49: {  	_ =	shalt  }
0x4a: {  	_ =	shalt  }
0x4b: {  	_ =	shalt  }
0x4c: {  	_ =	shalt  }
0x4d: {  	_ =	shalt  }
0x4e: {  	_ =	shalt  }
0x4f: {  	_ =	shalt  }
0x50: {  	_ =	shalt  }
0x51: {  	_ =	shalt  }
0x52: {  	_ =	shalt  }
0x53: {  	_ =	shalt  }
0x54: {  	_ =	shalt  }
0x55: {  	_ =	shalt  }
0x56: {  	_ =	shalt  }
0x57: {  	_ =	shalt  }
0x58: {  	_ =	shalt  }
0x59: {  	_ =	shalt  }
0x5a: {  	_ =	shalt  }
0x5b: {  	_ =	shalt  }
0x5c: {  	_ =	shalt  }
0x5d: {  	_ =	shalt  }
0x5e: {  	_ =	shalt  }
0x5f: {  	_ =	shalt  }
0x60: {  	_ =	shalt  }
0x61: {  	_ =	shalt  }
0x62: {  	_ =	shalt  }
0x63: {  	_ =	shalt  }
0x64: {  	_ =	shalt  }
0x65: {  	_ =	shalt  }
0x66: {  	_ =	shalt  }
0x67: {  	_ =	shalt  }
0x68: {  	_ =	shalt  }
0x69: {  	_ =	shalt  }
0x6a: {  	_ =	shalt  }
0x6b: {  	_ =	shalt  }
0x6c: {  	_ =	shalt  }
0x6d: {  	_ =	shalt  }
0x6e: {  	_ =	shalt  }
0x6f: {  	_ =	shalt  }
0x70: {  	_ =	shalt  }
0x71: {  	_ =	shalt  }
0x72: {  	_ =	shalt  }
0x73: {  	_ =	shalt  }
0x74: {  	_ =	shalt  }
0x75: {  	_ =	shalt  }
0x76: {  	_ =	shalt  }
0x77: {  	_ =	shalt  }
0x78: {  	_ =	shalt  }
0x79: {  	_ =	shalt  }
0x7a: {  	_ =	shalt  }
0x7b: {  	_ =	shalt  }
0x7c: {  	_ =	shalt  }
0x7d: {  	_ =	shalt  }
0x7e: {  	_ =	shalt  }
0x7f: {  	_ =	shalt  }
0x80: {  	_ =	shalt  }
0x81: {  	_ =	shalt  }
0x82: {  	_ =	shalt  }
0x83: {  	_ =	shalt  }
0x84: {  	_ =	shalt  }
0x85: {  	_ =	shalt  }
0x86: {  	_ =	shalt  }
0x87: {  	_ =	shalt  }
.Lfunc_end0:
.L_simem_size_0:
called_computation.1_lowered:
.L_overlay_start_0:
0x88: {  	s2 =	sld [smem:$0x3FD9]  }
0x89: {  	s3 =	sld [smem:$0x3FFE];
	_ =	sdelay $0x1  }
0x8a: {  	s1 =	srdreg.scid  }
0x8b: {  	s0 =	sand.u32 $0x1, s1  }
0x8c: {  	s17 =	sshll.u32 s0, $0xA;
	s2 =	sadd.s32 s3, s2  }
0x8d: {  	s2 =	sadd.s32 s2, s17  }
0x8e: {  	[smem:$0x3FBE] =	sst s2  }
0x8f: {  	_ = 	snop  }
0x90: {  	s2 =	sld [smem:$0x3FD0];
	(tm) =	ssettm $0x1  }
0x91: {  	s18 =	sld [smem:$0x3FFB];
	_ =	sdelay $0x3  }
0x92: {  	_ =	strace s18  }
0x93: {  	s3 =	sld [smem:$0x3FFC];
	_ =	sdelay $0x3  }
0x94: {  	_ =	strace s3  }
0x95: {  	s3 =	sld [smem:$0x3FFD];
	_ =	sdelay $0x3  }
0x96: {  	_ =	strace s3  }
0x97: {  	_ =	strace $0x8FFFFFFF  }
0x98: {  	s19 =	sld [smem:$0x3FDB];
	_ =	sdelay $0x1  }
0x99: {  	s4 =	simm.s32 $_scs_section_size  }
0x9a: {  	s5 =	simm.s32 $_size__tile_overlayer_lowered;
	s6 =	simm.s32 $_tile_overlayer_lowered  }
0x9b: {  	s22 =	simm.s32 $0x1BFF;
	s21 =	sshll.u32 s6, $0x1;
	s3 =	sadd.s32 s4, s19  }
0x9c: {  	s7 =	simm.s32 $0x0;
	s20 =	sshll.u32 s5, $0x1;
	s5 =	sadd.s32 s21, s3  }
0x9d: {  	[timem:s7], [sflag:s22] =	dma.local [hbm:s5], s20  }
0x9e: {  	_ =	swait.ge [sflag:s22], s20  }
0x9f: {  	s4 =	ssub.s32 $0x0, s20;
	[sflag:s22] =	ssyncset.done $0x0  }
0xa0: {  	[sflag:s22] =	ssyncadd.s32 s4;
	_ =	sdelay $0x1  }
0xa1: {  	s23 =	simm.s32 $0x1B8B  }
0xa2: {  	_ =	swait.ge [sflag:s23], $0x1  }
0xa3: {  	[sflag:s23] =	ssyncset.done $0x0  }
0xa4: {  	s25 =	simm.s32 $0x1B8E;
	s24 =	sld [smem:$0x3FFE];
	[sflag:s23] =	ssyncadd.s32 $0xFFFFFFFF  }
0xa5: {  	s26 =	simm.s32 $execute0_lowered;
	[smem:$0x3FD2] =	sst s25  }
0xa6: {  	s5 =	sshll.u32 s26, $0x1;
	_ =	strace $0x80000049;
	[dreg:$0x1] =	wrdreg $0xFFFFFFFF  }
0xa7: {  	s28 =	simm.s32 $_size_execute0_lowered;
	s3 =	sadd.s32 s3, s5;
	[dreg:$0x0] =	wrdreg $0x0  }
0xa8: {  	s5 =	sshll.u32 s28, $0x1;
	[dreg:$0x2] =	wrdreg s3  }
0xa9: {  	[dreg:$0x3] =	wrdreg s5  }
0xaa: {  	[dreg:$0x4] =	wrdreg $0xC0  }
0xab: {  	_ =	task [dreg:s7], $0x5FFFF  }
0xac: {  	[dreg:$0x1] =	wrdreg $0xFFFFFFFF  }
0xad: {  	[dreg:$0x0] =	wrdreg $0x60  }
0xae: {  	[dreg:$0x2] =	wrdreg s24  }
0xaf: {  	[dreg:$0x3] =	wrdreg s2  }
0xb0: {  	[dreg:$0x4] =	wrdreg $0xB7800  }
0xb1: {  	[dreg:$0x5] =	wrdreg $0x9  }
0xb2: {  	_ =	task.clear_ibuf [dreg:s7], $0x6FFFF;
	_ =	strace $0x90000049  }
0xb3: {  	s29 =	simm.s32 $0x9;
	_ =	strace $0x8000004B  }
0xb4: {  	_ =	swait.ge [sflag:s29], $0x1  }
0xb5: {  	[sflag:s29] =	ssyncadd.s32 $0xFFFFFFFF  }
0xb6: {  	_ =	strace $0x9000004B  }
0xb7: {  	_ =	sfence  }
0xb8: {  	s30 =	sld [smem:$0x0];
	_ =	sdelay $0x2  }
0xb9: {  	s31 =	sshll.u32 s1, $0xD;
	s1 =	sshrl.u32 s1, $0x2  }
0xba: {  	s3 =	sand.u32 $0x4000, s31;
	s1 =	sadd.s32 s1, s30  }
0xbb: {  	s0 =	sor.u32 s3, s0;
	s1 =	sshll.u32 s1, $0x11  }
0xbc: {  	s0 =	sor.u32 s1, s0  }
0xbd: {  	s0 =	sadd.s32 $0x8F2B, s0  }
0xbe: {  	[sflag:s0] =	ssyncadd.remote.s32 $0x1  }
0xbf: {  	_ =	sfence.sel $0xFFFF  }
0xc0: {  	[dreg:$0x0] =	wrdreg $0xFFFFFFFF;
	(pc) =	sbr.abs _section_cstart, $3  }
0xc1: {  	[dreg:$0x1] =	wrdreg $0xFFFFFFFF  }
0xc2: {  	_ =	task.clear_ibuf [dreg:s7], $0x2FFFF;
	_ =	strace $0x9FFFFFFF  }
0xc3: {  	(tm) =	ssettm $0x7FFFFFFF  }
tec
execute0_lowered:
.L_overlay_start_1:
0x0: {  	(tag) =	ssettag $0x1  }
0x1: {  	s6 =	rddreg [dreg:$0x0]  }
0x2: {  	s8 =	rddreg [dreg:$0x1]  }
0x3: {  	s1 =	rddreg [dreg:$0x2]  }
0x4: {  	s2 =	srdreg.scid;
	s0 =	rddreg [dreg:$0x3]  }
0x5: {  	s12 =	stileid.u32;
	s18 =	simm.s32 $0x8F80;
	s19 =	simm.s32 $0x1  }
0x6: {  	s20 =	simm.s32 $0x2;
	s21 =	simm.s32 $0x6580;
	s22 =	simm.s32 $0x0  }
0x7: {  	s7 =	sand.u32 $0x1, s2;
	s2 =	simm.s32 $0x0;
	s10 =	smul.u32 $0x13800, s12  }
0x8: {  	s11 =	smul.u32 $0x4E000, s12;
	s14 =	sadd.s32 $0x5A200, s6;
	s28 =	sshll.u32 s12, $0x6  }
0x9: {  	s17 =	sadd.s32 $0x138000, s1;
	p0 =	sne.s32 s12, $0x0;
	s3 =	sshll.u32 s7, $0x4  }
0xa: {  	[smem:$0x7FF] =	sst s2;
	s26 =	ssub.s32 $0x2, s7;
	s29 =	smul.u32 $0x138800, s7  }
0xb: {  	s9 =	sor.u32 s12, s3;
	_ =	strace $0x8000004A;
	s3 =	sadd.s32 $0x33000, s6  }
0xc: {  	s5 =	sshrl.u32 s10, $0x3;
	s15 =	sshrl.u32 s26, $0x1;
	s11 =	sshrl.u32 s11, $0x2  }
0xd: {  	s4 =	smul.u32 $0x4E2, s9;
	s25 =	sadd.s32 s5, s6;
	s15 =	ssub.s32 s26, s15  }
0xe: {  	s16 =	sadd.s32 s11, s1;
	s5 =	sor.u32 $0x1C03, s28;
	s9 =	sshll.u32 s9, $0xB  }
0xf: {  	s10 =	sadd.s32 s10, s29;
	s11 =	sshrl.u32 s29, $0x3;
	s8 =	sadd.s32 s8, s9  }
0x10: {  	s30 =	sshrl.u32 s10, $0x3;
	s31 =	sadd.s32 s14, s11;
	s11 =	smax.u32 s15, $0x1  }
0x11: {  	s12 =	sshrl.u32 s16, $0x3;
	s15 =	simm.s32 $0x2780;
	s16 =	simm.s32 $0x50  }
0x12: {  	s13 =	sadd.s32 s4, s6;
	s4 =	sadd.s32 $0xBE00, s25;
	s6 =	sadd.s32 $0x32E00, s6  }
0x13: {  	s9 =	sadd.s32 s14, s30;
	s10 =	sadd.s32 $0x27000, s31;
	s14 =	sshrl.u32 @!p0 s17, $0x3  }
0x14: {  	s17 =	simm.s32 $0x6780;
	s7 =	sadd.s32 $0x2000, s13;
	s13 =	simm.s32 $0x3  }
.LBB2_1:
0x15: {  	[spmem:s12], [sflag:s5] =	dma.local [hbm:s4], $0x2700  }
0x16: {  	_ =	swait.ge [sflag:s13], $0x2700  }
0x17: {  	[sflag:s13] =	ssyncset.done $0x0  }
0x18: {  	s23 =	simm.s32 @!p0 $0x3;
	[sflag:s13] =	ssyncadd.s32 $0xFFFFD900  }
0x19: {  	[spmem:s14], [sflag:s5] =	dma.local @!p0 [hbm:s6], $0x100  }
0x1a: {  	_ =	swait.ge @!p0 [sflag:s23], $0x100  }
0x1b: {  	[sflag:s23] =	ssyncset.done @!p0 $0x0  }
0x1c: {  	[sflag:s23] =	ssyncadd.s32 @!p0 $0xFFFFFF00  }
0x1d: {  	[tilespmem:s2], [sflag:$0x3] =	stream.linear.gather [hbm4b:s7+s2], $0x2710, $0x38;
	[tilespmem:$0x1F000] =	vst v63  }
0x1e: {  	_ =	swait.ge [sflag:s13], $0x2710  }
0x1f: {  	[sflag:s13] =	ssyncset.done $0x0  }
0x20: {  	[sflag:s13] =	ssyncadd.s32 $0xFFFFD8F0  }
0x21: {  	[tilespmem:s15], [sflag:$0x3] =	stream.linear.gather [hbm4b:s8+s2], $0x3E80, $0x38;
	[tilespmem:$0x1F000] =	vst v63  }
0x22: {  	_ =	swait.ge [sflag:s13], $0x3E80  }
0x23: {  	[sflag:s13] =	ssyncset.done $0x0  }
0x24: {  	[sflag:s13] =	ssyncadd.s32 $0xFFFFC180  }
0x25: {  	[bflag:$0x0] =	sbarrier.arrive $0xFFFF  }
0x26: {  	[tilespmem:s17], [sflag:$0x1] =	stream.indirect.gather [hbm4b:s3+s16], $0x80, s2, s16, $0xb8;
	[tilespmem:$0x1F000] =	vst v63  }
0x27: {  	s28 =	simm.s32 $0x50  }
0x28: {  	[tilespmem:s18], [sflag:$0x2] =	stream.indirect.gather [hbm4b:s3+s16], $0x80, s28, s16, $0xb8;
	[tilespmem:$0x1F000] =	vst v63  }
0x29: {  	_ =	swait.ge [sflag:s19], $0x2800  }
0x2a: {  	[sflag:s19] =	ssyncset.done $0x0  }
0x2b: {  	s29 =	simm.s32 $0x2780;
	[sflag:s19] =	ssyncadd.s32 $0xFFFFD800  }
0x2c: {  	[spmem:s1] =	stream.indirect.scatter.add.f32 [tilespmem:s17], [sflag:$0x3], $0x80, s29, s16, $0xb8;
	[tilespmem:$0x1F000] =	vst v63  }
0x2d: {  	_ =	swait.ge [sflag:s13], $0x2800  }
0x2e: {  	[sflag:s13] =	ssyncset.done $0x0  }
0x2f: {  	s30 =	simm.s32 $0xA0;
	[sflag:s13] =	ssyncadd.s32 $0xFFFFD800  }
0x30: {  	[tilespmem:s17], [sflag:$0x1] =	stream.indirect.gather [hbm4b:s3+s16], $0x80, s30, s16, $0xb8;
	[tilespmem:$0x1F000] =	vst v63  }
0x31: {  	_ =	swait.ge [sflag:s20], $0x2800  }
0x32: {  	[sflag:s20] =	ssyncset.done $0x0  }
0x33: {  	s31 =	simm.s32 $0x2800;
	[sflag:s20] =	ssyncadd.s32 $0xFFFFD800  }
0x34: {  	[spmem:s1] =	stream.indirect.scatter.add.f32 [tilespmem:s18], [sflag:$0x3], $0x80, s31, s16, $0xb8;
	[tilespmem:$0x1F000] =	vst v63  }
0x35: {  	s24 =	simm.s32 $0x400;
	_ =	swait.ge [sflag:s13], $0x2800  }
0x36: {  	s25 =	simm.s32 $0x800;
	s23 =	simm.s32 $0x140;
	[sflag:s13] =	ssyncset.done $0x0  }
.LBB2_2:
0x37: {  	p1 =	sne.s32 s25, $0xF400;
	s26 =	sadd.s32 $0xFFFFFFB0, s23;
	[sflag:s13] =	ssyncadd.s32 $0xFFFFD800  }
0x38: {  	[tilespmem:s18], [sflag:$0x2] =	stream.indirect.gather [hbm4b:s3+s16], $0x80, s26, s16, $0xb8;
	[tilespmem:$0x1F000] =	vst v63  }
0x39: {  	s26 =	smov.u32 s25;
	s25 =	sadd.s32 $0x400, s25;
	_ =	swait.ge [sflag:s19], $0x2800  }
0x3a: {  	s28 =	sshra.s32 s24, $0x2;
	s24 =	smov.u32 s26;
	[sflag:s19] =	ssyncset.done $0x0  }
0x3b: {  	s26 =	sadd.s32 $0x2780, s28;
	[sflag:s19] =	ssyncadd.s32 $0xFFFFD800  }
0x3c: {  	[spmem:s1] =	stream.indirect.scatter.add.f32 [tilespmem:s17], [sflag:$0x3], $0x80, s26, s16, $0xb8;
	[tilespmem:$0x1F000] =	vst v63  }
0x3d: {  	_ =	swait.ge [sflag:s13], $0x2800  }
0x3e: {  	[sflag:s13] =	ssyncset.done $0x0  }
0x3f: {  	[sflag:s13] =	ssyncadd.s32 $0xFFFFD800  }
0x40: {  	[tilespmem:s17], [sflag:$0x1] =	stream.indirect.gather [hbm4b:s3+s16], $0x80, s23, s16, $0xb8;
	[tilespmem:$0x1F000] =	vst v63  }
0x41: {  	_ =	swait.ge [sflag:s20], $0x2800  }
.Ltmp0:
0x42: {  	[sflag:s20] =	ssyncset.done $0x0;
	(pc) =	sbr.rel @p1 .LBB2_2-.Ltmp0, $4  }
0x43: {  	s26 =	sadd.s32 $0x2800, s28;
	[sflag:s20] =	ssyncadd.s32 $0xFFFFD800  }
0x44: {  	[spmem:s1] =	stream.indirect.scatter.add.f32 [tilespmem:s18], [sflag:$0x3], $0x80, s26, s16, $0xb8;
	[tilespmem:$0x1F000] =	vst v63  }
0x45: {  	_ =	swait.ge [sflag:s13], $0x2800  }
0x46: {  	s23 =	sadd.s32 $0xA0, s23;
	[sflag:s13] =	ssyncset.done $0x0  }
0x47: {  	s25 =	sadd.s32 $0xFFFFFFB0, s23;
	[sflag:s13] =	ssyncadd.s32 $0xFFFFD800  }
0x48: {  	[tilespmem:s18], [sflag:$0x2] =	stream.indirect.gather [hbm4b:s3+s16], $0x80, s25, s16, $0xb8;
	[tilespmem:$0x1F000] =	vst v63  }
0x49: {  	_ =	swait.ge [sflag:s19], $0x2800  }
0x4a: {  	s24 =	sshra.s32 s24, $0x2;
	[sflag:s19] =	ssyncset.done $0x0  }
0x4b: {  	s30 =	sadd.s32 $0x2780, s24;
	[sflag:s19] =	ssyncadd.s32 $0xFFFFD800  }
0x4c: {  	[spmem:s1] =	stream.indirect.scatter.add.f32 [tilespmem:s17], [sflag:$0x3], $0x80, s30, s16, $0xb8;
	[tilespmem:$0x1F000] =	vst v63  }
0x4d: {  	_ =	swait.ge [sflag:s13], $0x2800  }
0x4e: {  	[sflag:s13] =	ssyncset.done $0x0  }
0x4f: {  	[sflag:s13] =	ssyncadd.s32 $0xFFFFD800  }
0x50: {  	[tilespmem:s17], [sflag:$0x1] =	stream.indirect.gather [hbm4b:s3+s16], $0x80, s23, s16, $0xb8;
	[tilespmem:$0x1F000] =	vst v63  }
0x51: {  	_ =	swait.ge [sflag:s20], $0x2800  }
0x52: {  	[sflag:s20] =	ssyncset.done $0x0  }
0x53: {  	s31 =	sadd.s32 $0x2800, s24;
	[sflag:s20] =	ssyncadd.s32 $0xFFFFD800  }
0x54: {  	[spmem:s1] =	stream.indirect.scatter.add.f32 [tilespmem:s18], [sflag:$0x3], $0x80, s31, s16, $0xb8;
	[tilespmem:$0x1F000] =	vst v63  }
0x55: {  	_ =	swait.ge [sflag:s13], $0x2800  }
0x56: {  	[sflag:s13] =	ssyncset.done $0x0  }
0x57: {  	[sflag:s13] =	ssyncadd.s32 $0xFFFFD800  }
0x58: {  	_ =	swait.ge [sflag:s19], $0x2800  }
0x59: {  	[sflag:s19] =	ssyncset.done $0x0  }
0x5a: {  	[sflag:s19] =	ssyncadd.s32 $0xFFFFD800  }
0x5b: {  	[spmem:s1] =	stream.indirect.scatter.add.f32 [tilespmem:s17], [sflag:$0x3], $0x80, s21, s16, $0xb8;
	[tilespmem:$0x1F000] =	vst v63  }
0x5c: {  	_ =	swait.ge [sflag:s13], $0x2800  }
0x5d: {  	[sflag:s13] =	ssyncset.done $0x0  }
0x5e: {  	[sflag:s13] =	ssyncadd.s32 $0xFFFFD800  }
0x5f: {  	[bflag:$0x0] =	sbarrier.arrive $0xFFFF  }
0x60: {  	[hbm:s9], [sflag:s5] =	dma.local [spmem:s12], $0x2700  }
0x61: {  	s22 =	sadd.s32 $0x1, s22;
	_ =	swait.ge [sflag:s13], $0x2700  }
0x62: {  	p1 =	sne.s32 s22, s11;
	[sflag:s13] =	ssyncset.done $0x0  }
.Ltmp1:
0x63: {  	s23 =	simm.s32 @!p0 $0x3;
	[sflag:s13] =	ssyncadd.s32 $0xFFFFD900;
	(pc) =	sbr.rel @p1 .LBB2_1-.Ltmp1, $4  }
0x64: {  	[hbm:s10], [sflag:s5] =	dma.local @!p0 [spmem:s14], $0x100  }
0x65: {  	_ =	swait.ge @!p0 [sflag:s23], $0x100  }
0x66: {  	[sflag:s23] =	ssyncset.done @!p0 $0x0  }
0x67: {  	[sflag:s23] =	ssyncadd.s32 @!p0 $0xFFFFFF00  }
0x68: {  	_ =	sfence.sel $0x180000  }
0x69: {  	[bflag:$0x0] =	sbarrier.arrive $0xFFFF  }
0x6a: {  	_ =	strace $0x9000004A  }
0x6b: {  	s0 =	sadd.s32 @!p0 $0x100000, s0;
	[bflag:$0x2] =	sbarrier.arrive $0xFFFF  }
0x6c: {  	[sflag:s0] =	ssyncadd.tile.s32 @!p0 $0x1;
	_ =	shalt  }
.Lfunc_end2:
_tile_overlayer_lowered:
.L_overlay_start_2:
0x6d: {  	(tag) =	ssettag $0x2  }
0x6e: {  	s0 =	rddreg [dreg:$0x0];
	s2 =	stileid.u32  }
0x6f: {  	s1 =	rddreg [dreg:$0x1];
	p0 =	sne.s32 s2, $0x0  }
0x70: {  	s3 =	rddreg [dreg:$0x2];
	[bflag:$0x3] =	sbarrier.arrive $0xFFFF;
	s2 =	simm.s32 @!p0 $0x1C03  }
0x71: {  	[timem:s3], [sflag:s2] =	dma.local @!p0 [hbm:s0], s1  }
0x72: {  	s0 =	simm.s32 @!p0 $0x3  }
0x73: {  	_ =	swait.ge @!p0 [sflag:s0], s1  }
0x74: {  	s1 =	ssub.s32 @!p0 $0x0, s1;
	[sflag:s0] =	ssyncset.done @!p0 $0x0  }
0x75: {  	[sflag:s0] =	ssyncadd.s32 @!p0 s1  }
0x76: {  	[bflag:$0x3] =	sbarrier.arrive $0xFFFF  }
0x77: {  	_ =	shalt  }

</sc_bundles>
